<compile_context>
chip_gen: v7x
topology: tpu7x:2x2x1
jax: 0.10.2.dev20260603
libtpu: 0.0.44.dev20260713+nightly
codegen_flags: <defaults>
</compile_context>

<pallas_src>
import functools

import jax
import jax.numpy as jnp
from jax import lax
from jax.experimental import pallas as pl
from jax.experimental.pallas import tpu as pltpu
from jax.experimental.pallas import tpu_sc as plsc

D = 128
B = 16384
NC = 2
NS = 16
NW = NC * NS
BPW = B // NW
CHUNK = 64
NCHUNK = BPW // CHUNK
NBUF = 6

_mesh = plsc.VectorSubcoreMesh(core_axis_name="c", subcore_axis_name="s",
                               num_cores=NC, num_subcores=NS)

_scratch = (
    [pltpu.VMEM((BPW,), jnp.int32)]
    + [pltpu.VMEM((CHUNK, D), jnp.float32)] * NBUF
    + [pltpu.VMEM((CHUNK, D), jnp.float32)] * NBUF
    + [pltpu.SemaphoreType.DMA] * NBUF
    + [pltpu.SemaphoreType.DMA] * NBUF
)


@functools.partial(
    pl.kernel,
    out_type=(jax.ShapeDtypeStruct((B, D), jnp.float32),
              jax.ShapeDtypeStruct((B, D), jnp.float32)),
    mesh=_mesh,
    scratch_types=_scratch,
)
def _gather2(ids_hbm, shape_hbm, tex_hbm, out_s_hbm, out_t_hbm,
             idx_v, *scr):
    bufs_s = scr[0:NBUF]
    bufs_t = scr[NBUF:2 * NBUF]
    sg = scr[2 * NBUF:3 * NBUF]
    sw = scr[3 * NBUF:4 * NBUF]
    wid = lax.axis_index("c") * NS + lax.axis_index("s")
    base = wid * BPW
    g = [None] * NCHUNK
    w = [None] * NCHUNK
    waited = [False] * NCHUNK

    def fire_gather(j):
        p = j % NBUF
        ix = idx_v.at[pl.ds(j * CHUNK, CHUNK)]
        g[j] = (pltpu.async_copy(shape_hbm.at[ix], bufs_s[p], sg[p]),
                pltpu.async_copy(tex_hbm.at[ix], bufs_t[p], sg[p]))

    pltpu.sync_copy(ids_hbm.at[pl.ds(base, BPW)], idx_v)
    for j in range(min(NBUF, NCHUNK)):
        fire_gather(j)
    for j in range(NCHUNK):
        p = j % NBUF
        nxt = j + NBUF - 1
        if j >= 1 and nxt < NCHUNK:
            for cp in w[j - 1]:
                cp.wait()
            waited[j - 1] = True
            fire_gather(nxt)
        for cp in g[j]:
            cp.wait()
        dst = pl.ds(base + j * CHUNK, CHUNK)
        w[j] = (pltpu.async_copy(bufs_s[p], out_s_hbm.at[dst], sw[p]),
                pltpu.async_copy(bufs_t[p], out_t_hbm.at[dst], sw[p]))
    for j in range(NCHUNK):
        if not waited[j]:
            for cp in w[j]:
                cp.wait()


def kernel(object_ids, shape_table, texture_table):
    return _gather2(object_ids.astype(jnp.int32), shape_table, texture_table)

# --- scband reference (transcript-rebuilt; emitter-appended) ---
"""Pipeline reference for scband-shape-texture-embedding-34445637713945 (READ-ONLY COPY).

The authoritative reference and input builder live on the scoring server;
editing this copy changes nothing except your own understanding.
"""

import jax, jax.numpy as jnp
import numpy as np

NUM_EMBEDDINGS = 1000000
SHAPE_CODE_SIZE = 128
TEXTURE_CODE_SIZE = 128
BATCH = 16384


def setup_inputs(seed: int = 0) -> dict:
    key = jax.random.key(seed)
    k1, k2, k3 = jax.random.split(key, 3)
    object_ids = jax.random.randint(k1, (BATCH,), 0, NUM_EMBEDDINGS, dtype=jnp.int64 if jax.config.read('jax_enable_x64') else jnp.int32)
    shape_table = jax.random.normal(k2, (NUM_EMBEDDINGS, SHAPE_CODE_SIZE), dtype=jnp.float32)
    texture_table = jax.random.normal(k3, (NUM_EMBEDDINGS, TEXTURE_CODE_SIZE), dtype=jnp.float32)
    return {"object_ids": object_ids, "shape_table": shape_table, "texture_table": texture_table}


def reference(object_ids, shape_table, texture_table):
    z_s = jnp.take(shape_table, object_ids, axis=0)
    z_t = jnp.take(texture_table, object_ids, axis=0)
    return (z_s, z_t)

if __name__ == "__main__":
    import jax
    _d = setup_inputs()
    print(jax.jit(kernel)(*tuple(_d.values())))

</pallas_src>

<mosaic_0001>
#map = affine_map<(d0, d1) -> (0)>
#map1 = affine_map<(d0, d1) -> (0, 0)>
module attributes {stable_mosaic.version = 14 : i64} {
  func.func @_gather2(%arg0: i32, %arg1: i32, %arg2: memref<16384xi32, #tpu.memory_space<hbm>>, %arg3: memref<1000000x128xf32, #tpu.memory_space<hbm>>, %arg4: memref<1000000x128xf32, #tpu.memory_space<hbm>>, %arg5: memref<16384x128xf32, #tpu.memory_space<hbm>>, %arg6: memref<16384x128xf32, #tpu.memory_space<hbm>>, %arg7: memref<512xi32, #tpu.memory_space<vmem>>, %arg8: memref<64x128xf32, #tpu.memory_space<vmem>>, %arg9: memref<64x128xf32, #tpu.memory_space<vmem>>, %arg10: memref<64x128xf32, #tpu.memory_space<vmem>>, %arg11: memref<64x128xf32, #tpu.memory_space<vmem>>, %arg12: memref<64x128xf32, #tpu.memory_space<vmem>>, %arg13: memref<64x128xf32, #tpu.memory_space<vmem>>, %arg14: memref<64x128xf32, #tpu.memory_space<vmem>>, %arg15: memref<64x128xf32, #tpu.memory_space<vmem>>, %arg16: memref<64x128xf32, #tpu.memory_space<vmem>>, %arg17: memref<64x128xf32, #tpu.memory_space<vmem>>, %arg18: memref<64x128xf32, #tpu.memory_space<vmem>>, %arg19: memref<64x128xf32, #tpu.memory_space<vmem>>, %arg20: memref<!tpu.dma_semaphore, #tpu.memory_space<semaphore_mem>>, %arg21: memref<!tpu.dma_semaphore, #tpu.memory_space<semaphore_mem>>, %arg22: memref<!tpu.dma_semaphore, #tpu.memory_space<semaphore_mem>>, %arg23: memref<!tpu.dma_semaphore, #tpu.memory_space<semaphore_mem>>, %arg24: memref<!tpu.dma_semaphore, #tpu.memory_space<semaphore_mem>>, %arg25: memref<!tpu.dma_semaphore, #tpu.memory_space<semaphore_mem>>, %arg26: memref<!tpu.dma_semaphore, #tpu.memory_space<semaphore_mem>>, %arg27: memref<!tpu.dma_semaphore, #tpu.memory_space<semaphore_mem>>, %arg28: memref<!tpu.dma_semaphore, #tpu.memory_space<semaphore_mem>>, %arg29: memref<!tpu.dma_semaphore, #tpu.memory_space<semaphore_mem>>, %arg30: memref<!tpu.dma_semaphore, #tpu.memory_space<semaphore_mem>>, %arg31: memref<!tpu.dma_semaphore, #tpu.memory_space<semaphore_mem>>) attributes {dimension_semantics = [#tpu.dimension_semantics<core_parallel>, #tpu.dimension_semantics<subcore_parallel>], iteration_bounds = array<i64: 2, 16>, scalar_prefetch = 0 : i64, scratch_operands = 25 : i64, tpu.core_type = #tpu.core_type<sc_vector_subcore>, window_params = [{transform_indices = #map}, {transform_indices = #map1}, {transform_indices = #map1}, {transform_indices = #map1}, {transform_indices = #map1}]} {
    %mul3A = arith.constant 16 : i32
    %mul3A_0 = arith.muli %arg0, %mul3A : i32
    %add3A = arith.addi %mul3A_0, %arg1 : i32
    %mul3A_1 = arith.constant 512 : i32
    %mul3A_2 = arith.muli %add3A, %mul3A_1 : i32
    "tpu.region"() ({
      %run_scoped3A = tpu.sem_alloc : memref<!tpu.dma_semaphore, #tpu.memory_space<semaphore_mem>>
      %dma_start3A_305 = tpu.memref_slice %arg2[%mul3A_2] : memref<16384xi32, #tpu.memory_space<hbm>> -> memref<512xi32, #tpu.memory_space<hbm>>
      %dma_start3A_306 = tpu.memref_slice %arg2[%mul3A_2] : memref<16384xi32, #tpu.memory_space<hbm>> -> memref<512xi32, #tpu.memory_space<hbm>>
      tpu.enqueue_dma source(%dma_start3A_306 : memref<512xi32, #tpu.memory_space<hbm>>) target(%arg7 : memref<512xi32, #tpu.memory_space<vmem>>) target_semaphore(%run_scoped3A : memref<!tpu.dma_semaphore, #tpu.memory_space<semaphore_mem>>)
      %dma_wait3A_307 = tpu.memref_slice %arg2[%mul3A_2] : memref<16384xi32, #tpu.memory_space<hbm>> -> memref<512xi32, #tpu.memory_space<hbm>>
      %dma_wait3A_308 = tpu.memref_slice %arg2[%mul3A_2] : memref<16384xi32, #tpu.memory_space<hbm>> -> memref<512xi32, #tpu.memory_space<hbm>>
      tpu.wait_dma2 semaphore(%run_scoped3A : memref<!tpu.dma_semaphore, #tpu.memory_space<semaphore_mem>>) src(%dma_wait3A_308 : memref<512xi32, #tpu.memory_space<hbm>>) dst(%arg7 : memref<512xi32, #tpu.memory_space<vmem>>)
      tpu.yield
    }) : () -> ()
    %dma_start3A = arith.constant 0 : i32
    %dma_start3A_3 = tpu.memref_slice %arg7[%dma_start3A] : memref<512xi32, #tpu.memory_space<vmem>> -> memref<64xi32, #tpu.memory_space<vmem>>
    %dma_start3A_4 = arith.constant 0 : i32
    %dma_start3A_5 = arith.constant 0 : i32
    %dma_start3A_6 = tpu.memref_slice %arg3[%dma_start3A_4, %dma_start3A_5] : memref<1000000x128xf32, #tpu.memory_space<hbm>> -> memref<1000000x128xf32, #tpu.memory_space<hbm>>
    tpu.enqueue_indirect_dma source(%dma_start3A_6 : memref<1000000x128xf32, #tpu.memory_space<hbm>>) target(%arg8 : memref<64x128xf32, #tpu.memory_space<vmem>>) offsets(%dma_start3A_3 : memref<64xi32, #tpu.memory_space<vmem>>) semaphore(%arg20 : memref<!tpu.dma_semaphore, #tpu.memory_space<semaphore_mem>>)
    %dma_start3A_7 = arith.constant 0 : i32
    %dma_start3A_8 = tpu.memref_slice %arg7[%dma_start3A_7] : memref<512xi32, #tpu.memory_space<vmem>> -> memref<64xi32, #tpu.memory_space<vmem>>
    %dma_start3A_9 = arith.constant 0 : i32
    %dma_start3A_10 = arith.constant 0 : i32
    %dma_start3A_11 = tpu.memref_slice %arg4[%dma_start3A_9, %dma_start3A_10] : memref<1000000x128xf32, #tpu.memory_space<hbm>> -> memref<1000000x128xf32, #tpu.memory_space<hbm>>
    tpu.enqueue_indirect_dma source(%dma_start3A_11 : memref<1000000x128xf32, #tpu.memory_space<hbm>>) target(%arg14 : memref<64x128xf32, #tpu.memory_space<vmem>>) offsets(%dma_start3A_8 : memref<64xi32, #tpu.memory_space<vmem>>) semaphore(%arg20 : memref<!tpu.dma_semaphore, #tpu.memory_space<semaphore_mem>>)
    %dma_start3A_12 = arith.constant 64 : i32
    %dma_start3A_13 = tpu.memref_slice %arg7[%dma_start3A_12] : memref<512xi32, #tpu.memory_space<vmem>> -> memref<64xi32, #tpu.memory_space<vmem>>
    %dma_start3A_14 = arith.constant 0 : i32
    %dma_start3A_15 = arith.constant 0 : i32
    %dma_start3A_16 = tpu.memref_slice %arg3[%dma_start3A_14, %dma_start3A_15] : memref<1000000x128xf32, #tpu.memory_space<hbm>> -> memref<1000000x128xf32, #tpu.memory_space<hbm>>
    tpu.enqueue_indirect_dma source(%dma_start3A_16 : memref<1000000x128xf32, #tpu.memory_space<hbm>>) target(%arg9 : memref<64x128xf32, #tpu.memory_space<vmem>>) offsets(%dma_start3A_13 : memref<64xi32, #tpu.memory_space<vmem>>) semaphore(%arg21 : memref<!tpu.dma_semaphore, #tpu.memory_space<semaphore_mem>>)
    %dma_start3A_17 = arith.constant 64 : i32
    %dma_start3A_18 = tpu.memref_slice %arg7[%dma_start3A_17] : memref<512xi32, #tpu.memory_space<vmem>> -> memref<64xi32, #tpu.memory_space<vmem>>
    %dma_start3A_19 = arith.constant 0 : i32
    %dma_start3A_20 = arith.constant 0 : i32
    %dma_start3A_21 = tpu.memref_slice %arg4[%dma_start3A_19, %dma_start3A_20] : memref<1000000x128xf32, #tpu.memory_space<hbm>> -> memref<1000000x128xf32, #tpu.memory_space<hbm>>
    tpu.enqueue_indirect_dma source(%dma_start3A_21 : memref<1000000x128xf32, #tpu.memory_space<hbm>>) target(%arg15 : memref<64x128xf32, #tpu.memory_space<vmem>>) offsets(%dma_start3A_18 : memref<64xi32, #tpu.memory_space<vmem>>) semaphore(%arg21 : memref<!tpu.dma_semaphore, #tpu.memory_space<semaphore_mem>>)
    %dma_start3A_22 = arith.constant 128 : i32
    %dma_start3A_23 = tpu.memref_slice %arg7[%dma_start3A_22] : memref<512xi32, #tpu.memory_space<vmem>> -> memref<64xi32, #tpu.memory_space<vmem>>
    %dma_start3A_24 = arith.constant 0 : i32
    %dma_start3A_25 = arith.constant 0 : i32
    %dma_start3A_26 = tpu.memref_slice %arg3[%dma_start3A_24, %dma_start3A_25] : memref<1000000x128xf32, #tpu.memory_space<hbm>> -> memref<1000000x128xf32, #tpu.memory_space<hbm>>
    tpu.enqueue_indirect_dma source(%dma_start3A_26 : memref<1000000x128xf32, #tpu.memory_space<hbm>>) target(%arg10 : memref<64x128xf32, #tpu.memory_space<vmem>>) offsets(%dma_start3A_23 : memref<64xi32, #tpu.memory_space<vmem>>) semaphore(%arg22 : memref<!tpu.dma_semaphore, #tpu.memory_space<semaphore_mem>>)
    %dma_start3A_27 = arith.constant 128 : i32
    %dma_start3A_28 = tpu.memref_slice %arg7[%dma_start3A_27] : memref<512xi32, #tpu.memory_space<vmem>> -> memref<64xi32, #tpu.memory_space<vmem>>
    %dma_start3A_29 = arith.constant 0 : i32
    %dma_start3A_30 = arith.constant 0 : i32
    %dma_start3A_31 = tpu.memref_slice %arg4[%dma_start3A_29, %dma_start3A_30] : memref<1000000x128xf32, #tpu.memory_space<hbm>> -> memref<1000000x128xf32, #tpu.memory_space<hbm>>
    tpu.enqueue_indirect_dma source(%dma_start3A_31 : memref<1000000x128xf32, #tpu.memory_space<hbm>>) target(%arg16 : memref<64x128xf32, #tpu.memory_space<vmem>>) offsets(%dma_start3A_28 : memref<64xi32, #tpu.memory_space<vmem>>) semaphore(%arg22 : memref<!tpu.dma_semaphore, #tpu.memory_space<semaphore_mem>>)
    %dma_start3A_32 = arith.constant 192 : i32
    %dma_start3A_33 = tpu.memref_slice %arg7[%dma_start3A_32] : memref<512xi32, #tpu.memory_space<vmem>> -> memref<64xi32, #tpu.memory_space<vmem>>
    %dma_start3A_34 = arith.constant 0 : i32
    %dma_start3A_35 = arith.constant 0 : i32
    %dma_start3A_36 = tpu.memref_slice %arg3[%dma_start3A_34, %dma_start3A_35] : memref<1000000x128xf32, #tpu.memory_space<hbm>> -> memref<1000000x128xf32, #tpu.memory_space<hbm>>
    tpu.enqueue_indirect_dma source(%dma_start3A_36 : memref<1000000x128xf32, #tpu.memory_space<hbm>>) target(%arg11 : memref<64x128xf32, #tpu.memory_space<vmem>>) offsets(%dma_start3A_33 : memref<64xi32, #tpu.memory_space<vmem>>) semaphore(%arg23 : memref<!tpu.dma_semaphore, #tpu.memory_space<semaphore_mem>>)
    %dma_start3A_37 = arith.constant 192 : i32
    %dma_start3A_38 = tpu.memref_slice %arg7[%dma_start3A_37] : memref<512xi32, #tpu.memory_space<vmem>> -> memref<64xi32, #tpu.memory_space<vmem>>
    %dma_start3A_39 = arith.constant 0 : i32
    %dma_start3A_40 = arith.constant 0 : i32
    %dma_start3A_41 = tpu.memref_slice %arg4[%dma_start3A_39, %dma_start3A_40] : memref<1000000x128xf32, #tpu.memory_space<hbm>> -> memref<1000000x128xf32, #tpu.memory_space<hbm>>
    tpu.enqueue_indirect_dma source(%dma_start3A_41 : memref<1000000x128xf32, #tpu.memory_space<hbm>>) target(%arg17 : memref<64x128xf32, #tpu.memory_space<vmem>>) offsets(%dma_start3A_38 : memref<64xi32, #tpu.memory_space<vmem>>) semaphore(%arg23 : memref<!tpu.dma_semaphore, #tpu.memory_space<semaphore_mem>>)
    %dma_start3A_42 = arith.constant 256 : i32
    %dma_start3A_43 = tpu.memref_slice %arg7[%dma_start3A_42] : memref<512xi32, #tpu.memory_space<vmem>> -> memref<64xi32, #tpu.memory_space<vmem>>
    %dma_start3A_44 = arith.constant 0 : i32
    %dma_start3A_45 = arith.constant 0 : i32
    %dma_start3A_46 = tpu.memref_slice %arg3[%dma_start3A_44, %dma_start3A_45] : memref<1000000x128xf32, #tpu.memory_space<hbm>> -> memref<1000000x128xf32, #tpu.memory_space<hbm>>
    tpu.enqueue_indirect_dma source(%dma_start3A_46 : memref<1000000x128xf32, #tpu.memory_space<hbm>>) target(%arg12 : memref<64x128xf32, #tpu.memory_space<vmem>>) offsets(%dma_start3A_43 : memref<64xi32, #tpu.memory_space<vmem>>) semaphore(%arg24 : memref<!tpu.dma_semaphore, #tpu.memory_space<semaphore_mem>>)
    %dma_start3A_47 = arith.constant 256 : i32
    %dma_start3A_48 = tpu.memref_slice %arg7[%dma_start3A_47] : memref<512xi32, #tpu.memory_space<vmem>> -> memref<64xi32, #tpu.memory_space<vmem>>
    %dma_start3A_49 = arith.constant 0 : i32
    %dma_start3A_50 = arith.constant 0 : i32
    %dma_start3A_51 = tpu.memref_slice %arg4[%dma_start3A_49, %dma_start3A_50] : memref<1000000x128xf32, #tpu.memory_space<hbm>> -> memref<1000000x128xf32, #tpu.memory_space<hbm>>
    tpu.enqueue_indirect_dma source(%dma_start3A_51 : memref<1000000x128xf32, #tpu.memory_space<hbm>>) target(%arg18 : memref<64x128xf32, #tpu.memory_space<vmem>>) offsets(%dma_start3A_48 : memref<64xi32, #tpu.memory_space<vmem>>) semaphore(%arg24 : memref<!tpu.dma_semaphore, #tpu.memory_space<semaphore_mem>>)
    %dma_start3A_52 = arith.constant 320 : i32
    %dma_start3A_53 = tpu.memref_slice %arg7[%dma_start3A_52] : memref<512xi32, #tpu.memory_space<vmem>> -> memref<64xi32, #tpu.memory_space<vmem>>
    %dma_start3A_54 = arith.constant 0 : i32
    %dma_start3A_55 = arith.constant 0 : i32
    %dma_start3A_56 = tpu.memref_slice %arg3[%dma_start3A_54, %dma_start3A_55] : memref<1000000x128xf32, #tpu.memory_space<hbm>> -> memref<1000000x128xf32, #tpu.memory_space<hbm>>
    tpu.enqueue_indirect_dma source(%dma_start3A_56 : memref<1000000x128xf32, #tpu.memory_space<hbm>>) target(%arg13 : memref<64x128xf32, #tpu.memory_space<vmem>>) offsets(%dma_start3A_53 : memref<64xi32, #tpu.memory_space<vmem>>) semaphore(%arg25 : memref<!tpu.dma_semaphore, #tpu.memory_space<semaphore_mem>>)
    %dma_start3A_57 = arith.constant 320 : i32
    %dma_start3A_58 = tpu.memref_slice %arg7[%dma_start3A_57] : memref<512xi32, #tpu.memory_space<vmem>> -> memref<64xi32, #tpu.memory_space<vmem>>
    %dma_start3A_59 = arith.constant 0 : i32
    %dma_start3A_60 = arith.constant 0 : i32
    %dma_start3A_61 = tpu.memref_slice %arg4[%dma_start3A_59, %dma_start3A_60] : memref<1000000x128xf32, #tpu.memory_space<hbm>> -> memref<1000000x128xf32, #tpu.memory_space<hbm>>
    tpu.enqueue_indirect_dma source(%dma_start3A_61 : memref<1000000x128xf32, #tpu.memory_space<hbm>>) target(%arg19 : memref<64x128xf32, #tpu.memory_space<vmem>>) offsets(%dma_start3A_58 : memref<64xi32, #tpu.memory_space<vmem>>) semaphore(%arg25 : memref<!tpu.dma_semaphore, #tpu.memory_space<semaphore_mem>>)
    %dma_wait3A = arith.constant 0 : i32
    %dma_wait3A_62 = tpu.memref_slice %arg7[%dma_wait3A] : memref<512xi32, #tpu.memory_space<vmem>> -> memref<64xi32, #tpu.memory_space<vmem>>
    %dma_wait3A_63 = arith.constant 0 : i32
    %dma_wait3A_64 = arith.constant 0 : i32
    %dma_wait3A_65 = tpu.memref_slice %arg3[%dma_wait3A_63, %dma_wait3A_64] : memref<1000000x128xf32, #tpu.memory_space<hbm>> -> memref<1000000x128xf32, #tpu.memory_space<hbm>>
    tpu.wait_indirect_dma semaphore(%arg20 : memref<!tpu.dma_semaphore, #tpu.memory_space<semaphore_mem>>) src(%dma_wait3A_65 : memref<1000000x128xf32, #tpu.memory_space<hbm>>) dst(%arg8 : memref<64x128xf32, #tpu.memory_space<vmem>>)
    %dma_wait3A_66 = arith.constant 0 : i32
    %dma_wait3A_67 = tpu.memref_slice %arg7[%dma_wait3A_66] : memref<512xi32, #tpu.memory_space<vmem>> -> memref<64xi32, #tpu.memory_space<vmem>>
    %dma_wait3A_68 = arith.constant 0 : i32
    %dma_wait3A_69 = arith.constant 0 : i32
    %dma_wait3A_70 = tpu.memref_slice %arg4[%dma_wait3A_68, %dma_wait3A_69] : memref<1000000x128xf32, #tpu.memory_space<hbm>> -> memref<1000000x128xf32, #tpu.memory_space<hbm>>
    tpu.wait_indirect_dma semaphore(%arg20 : memref<!tpu.dma_semaphore, #tpu.memory_space<semaphore_mem>>) src(%dma_wait3A_70 : memref<1000000x128xf32, #tpu.memory_space<hbm>>) dst(%arg14 : memref<64x128xf32, #tpu.memory_space<vmem>>)
    %add3A_71 = arith.constant 0 : i32
    %add3A_72 = arith.addi %mul3A_2, %add3A_71 : i32
    %dma_start3A_73 = arith.constant 0 : i32
    %dma_start3A_74 = tpu.memref_slice %arg5[%add3A_72, %dma_start3A_73] : memref<16384x128xf32, #tpu.memory_space<hbm>> -> memref<64x128xf32, #tpu.memory_space<hbm>>
    %dma_start3A_75 = arith.constant 0 : i32
    %dma_start3A_76 = tpu.memref_slice %arg5[%add3A_72, %dma_start3A_75] : memref<16384x128xf32, #tpu.memory_space<hbm>> -> memref<64x128xf32, #tpu.memory_space<hbm>>
    tpu.enqueue_dma source(%arg8 : memref<64x128xf32, #tpu.memory_space<vmem>>) target(%dma_start3A_76 : memref<64x128xf32, #tpu.memory_space<hbm>>) target_semaphore(%arg26 : memref<!tpu.dma_semaphore, #tpu.memory_space<semaphore_mem>>)
    %dma_start3A_77 = arith.constant 0 : i32
    %dma_start3A_78 = tpu.memref_slice %arg6[%add3A_72, %dma_start3A_77] : memref<16384x128xf32, #tpu.memory_space<hbm>> -> memref<64x128xf32, #tpu.memory_space<hbm>>
    %dma_start3A_79 = arith.constant 0 : i32
    %dma_start3A_80 = tpu.memref_slice %arg6[%add3A_72, %dma_start3A_79] : memref<16384x128xf32, #tpu.memory_space<hbm>> -> memref<64x128xf32, #tpu.memory_space<hbm>>
    tpu.enqueue_dma source(%arg14 : memref<64x128xf32, #tpu.memory_space<vmem>>) target(%dma_start3A_80 : memref<64x128xf32, #tpu.memory_space<hbm>>) target_semaphore(%arg26 : memref<!tpu.dma_semaphore, #tpu.memory_space<semaphore_mem>>)
    %dma_wait3A_81 = arith.constant 0 : i32
    %dma_wait3A_82 = tpu.memref_slice %arg5[%add3A_72, %dma_wait3A_81] : memref<16384x128xf32, #tpu.memory_space<hbm>> -> memref<64x128xf32, #tpu.memory_space<hbm>>
    %dma_wait3A_83 = arith.constant 0 : i32
    %dma_wait3A_84 = tpu.memref_slice %arg5[%add3A_72, %dma_wait3A_83] : memref<16384x128xf32, #tpu.memory_space<hbm>> -> memref<64x128xf32, #tpu.memory_space<hbm>>
    tpu.wait_dma2 semaphore(%arg26 : memref<!tpu.dma_semaphore, #tpu.memory_space<semaphore_mem>>) src(%arg8 : memref<64x128xf32, #tpu.memory_space<vmem>>) dst(%dma_wait3A_84 : memref<64x128xf32, #tpu.memory_space<hbm>>)
    %dma_wait3A_85 = arith.constant 0 : i32
    %dma_wait3A_86 = tpu.memref_slice %arg6[%add3A_72, %dma_wait3A_85] : memref<16384x128xf32, #tpu.memory_space<hbm>> -> memref<64x128xf32, #tpu.memory_space<hbm>>
    %dma_wait3A_87 = arith.constant 0 : i32
    %dma_wait3A_88 = tpu.memref_slice %arg6[%add3A_72, %dma_wait3A_87] : memref<16384x128xf32, #tpu.memory_space<hbm>> -> memref<64x128xf32, #tpu.memory_space<hbm>>
    tpu.wait_dma2 semaphore(%arg26 : memref<!tpu.dma_semaphore, #tpu.memory_space<semaphore_mem>>) src(%arg14 : memref<64x128xf32, #tpu.memory_space<vmem>>) dst(%dma_wait3A_88 : memref<64x128xf32, #tpu.memory_space<hbm>>)
    %dma_start3A_89 = arith.constant 384 : i32
    %dma_start3A_90 = tpu.memref_slice %arg7[%dma_start3A_89] : memref<512xi32, #tpu.memory_space<vmem>> -> memref<64xi32, #tpu.memory_space<vmem>>
    %dma_start3A_91 = arith.constant 0 : i32
    %dma_start3A_92 = arith.constant 0 : i32
    %dma_start3A_93 = tpu.memref_slice %arg3[%dma_start3A_91, %dma_start3A_92] : memref<1000000x128xf32, #tpu.memory_space<hbm>> -> memref<1000000x128xf32, #tpu.memory_space<hbm>>
    tpu.enqueue_indirect_dma source(%dma_start3A_93 : memref<1000000x128xf32, #tpu.memory_space<hbm>>) target(%arg8 : memref<64x128xf32, #tpu.memory_space<vmem>>) offsets(%dma_start3A_90 : memref<64xi32, #tpu.memory_space<vmem>>) semaphore(%arg20 : memref<!tpu.dma_semaphore, #tpu.memory_space<semaphore_mem>>)
    %dma_start3A_94 = arith.constant 384 : i32
    %dma_start3A_95 = tpu.memref_slice %arg7[%dma_start3A_94] : memref<512xi32, #tpu.memory_space<vmem>> -> memref<64xi32, #tpu.memory_space<vmem>>
    %dma_start3A_96 = arith.constant 0 : i32
    %dma_start3A_97 = arith.constant 0 : i32
    %dma_start3A_98 = tpu.memref_slice %arg4[%dma_start3A_96, %dma_start3A_97] : memref<1000000x128xf32, #tpu.memory_space<hbm>> -> memref<1000000x128xf32, #tpu.memory_space<hbm>>
    tpu.enqueue_indirect_dma source(%dma_start3A_98 : memref<1000000x128xf32, #tpu.memory_space<hbm>>) target(%arg14 : memref<64x128xf32, #tpu.memory_space<vmem>>) offsets(%dma_start3A_95 : memref<64xi32, #tpu.memory_space<vmem>>) semaphore(%arg20 : memref<!tpu.dma_semaphore, #tpu.memory_space<semaphore_mem>>)
    %dma_wait3A_99 = arith.constant 64 : i32
    %dma_wait3A_100 = tpu.memref_slice %arg7[%dma_wait3A_99] : memref<512xi32, #tpu.memory_space<vmem>> -> memref<64xi32, #tpu.memory_space<vmem>>
    %dma_wait3A_101 = arith.constant 0 : i32
    %dma_wait3A_102 = arith.constant 0 : i32
    %dma_wait3A_103 = tpu.memref_slice %arg3[%dma_wait3A_101, %dma_wait3A_102] : memref<1000000x128xf32, #tpu.memory_space<hbm>> -> memref<1000000x128xf32, #tpu.memory_space<hbm>>
    tpu.wait_indirect_dma semaphore(%arg21 : memref<!tpu.dma_semaphore, #tpu.memory_space<semaphore_mem>>) src(%dma_wait3A_103 : memref<1000000x128xf32, #tpu.memory_space<hbm>>) dst(%arg9 : memref<64x128xf32, #tpu.memory_space<vmem>>)
    %dma_wait3A_104 = arith.constant 64 : i32
    %dma_wait3A_105 = tpu.memref_slice %arg7[%dma_wait3A_104] : memref<512xi32, #tpu.memory_space<vmem>> -> memref<64xi32, #tpu.memory_space<vmem>>
    %dma_wait3A_106 = arith.constant 0 : i32
    %dma_wait3A_107 = arith.constant 0 : i32
    %dma_wait3A_108 = tpu.memref_slice %arg4[%dma_wait3A_106, %dma_wait3A_107] : memref<1000000x128xf32, #tpu.memory_space<hbm>> -> memref<1000000x128xf32, #tpu.memory_space<hbm>>
    tpu.wait_indirect_dma semaphore(%arg21 : memref<!tpu.dma_semaphore, #tpu.memory_space<semaphore_mem>>) src(%dma_wait3A_108 : memref<1000000x128xf32, #tpu.memory_space<hbm>>) dst(%arg15 : memref<64x128xf32, #tpu.memory_space<vmem>>)
    %add3A_109 = arith.constant 64 : i32
    %add3A_110 = arith.addi %mul3A_2, %add3A_109 : i32
    %dma_start3A_111 = arith.constant 0 : i32
    %dma_start3A_112 = tpu.memref_slice %arg5[%add3A_110, %dma_start3A_111] : memref<16384x128xf32, #tpu.memory_space<hbm>> -> memref<64x128xf32, #tpu.memory_space<hbm>>
    %dma_start3A_113 = arith.constant 0 : i32
    %dma_start3A_114 = tpu.memref_slice %arg5[%add3A_110, %dma_start3A_113] : memref<16384x128xf32, #tpu.memory_space<hbm>> -> memref<64x128xf32, #tpu.memory_space<hbm>>
    tpu.enqueue_dma source(%arg9 : memref<64x128xf32, #tpu.memory_space<vmem>>) target(%dma_start3A_114 : memref<64x128xf32, #tpu.memory_space<hbm>>) target_semaphore(%arg27 : memref<!tpu.dma_semaphore, #tpu.memory_space<semaphore_mem>>)
    %dma_start3A_115 = arith.constant 0 : i32
    %dma_start3A_116 = tpu.memref_slice %arg6[%add3A_110, %dma_start3A_115] : memref<16384x128xf32, #tpu.memory_space<hbm>> -> memref<64x128xf32, #tpu.memory_space<hbm>>
    %dma_start3A_117 = arith.constant 0 : i32
    %dma_start3A_118 = tpu.memref_slice %arg6[%add3A_110, %dma_start3A_117] : memref<16384x128xf32, #tpu.memory_space<hbm>> -> memref<64x128xf32, #tpu.memory_space<hbm>>
    tpu.enqueue_dma source(%arg15 : memref<64x128xf32, #tpu.memory_space<vmem>>) target(%dma_start3A_118 : memref<64x128xf32, #tpu.memory_space<hbm>>) target_semaphore(%arg27 : memref<!tpu.dma_semaphore, #tpu.memory_space<semaphore_mem>>)
    %dma_wait3A_119 = arith.constant 0 : i32
    %dma_wait3A_120 = tpu.memref_slice %arg5[%add3A_110, %dma_wait3A_119] : memref<16384x128xf32, #tpu.memory_space<hbm>> -> memref<64x128xf32, #tpu.memory_space<hbm>>
    %dma_wait3A_121 = arith.constant 0 : i32
    %dma_wait3A_122 = tpu.memref_slice %arg5[%add3A_110, %dma_wait3A_121] : memref<16384x128xf32, #tpu.memory_space<hbm>> -> memref<64x128xf32, #tpu.memory_space<hbm>>
    tpu.wait_dma2 semaphore(%arg27 : memref<!tpu.dma_semaphore, #tpu.memory_space<semaphore_mem>>) src(%arg9 : memref<64x128xf32, #tpu.memory_space<vmem>>) dst(%dma_wait3A_122 : memref<64x128xf32, #tpu.memory_space<hbm>>)
    %dma_wait3A_123 = arith.constant 0 : i32
    %dma_wait3A_124 = tpu.memref_slice %arg6[%add3A_110, %dma_wait3A_123] : memref<16384x128xf32, #tpu.memory_space<hbm>> -> memref<64x128xf32, #tpu.memory_space<hbm>>
    %dma_wait3A_125 = arith.constant 0 : i32
    %dma_wait3A_126 = tpu.memref_slice %arg6[%add3A_110, %dma_wait3A_125] : memref<16384x128xf32, #tpu.memory_space<hbm>> -> memref<64x128xf32, #tpu.memory_space<hbm>>
    tpu.wait_dma2 semaphore(%arg27 : memref<!tpu.dma_semaphore, #tpu.memory_space<semaphore_mem>>) src(%arg15 : memref<64x128xf32, #tpu.memory_space<vmem>>) dst(%dma_wait3A_126 : memref<64x128xf32, #tpu.memory_space<hbm>>)
    %dma_start3A_127 = arith.constant 448 : i32
    %dma_start3A_128 = tpu.memref_slice %arg7[%dma_start3A_127] : memref<512xi32, #tpu.memory_space<vmem>> -> memref<64xi32, #tpu.memory_space<vmem>>
    %dma_start3A_129 = arith.constant 0 : i32
    %dma_start3A_130 = arith.constant 0 : i32
    %dma_start3A_131 = tpu.memref_slice %arg3[%dma_start3A_129, %dma_start3A_130] : memref<1000000x128xf32, #tpu.memory_space<hbm>> -> memref<1000000x128xf32, #tpu.memory_space<hbm>>
    tpu.enqueue_indirect_dma source(%dma_start3A_131 : memref<1000000x128xf32, #tpu.memory_space<hbm>>) target(%arg9 : memref<64x128xf32, #tpu.memory_space<vmem>>) offsets(%dma_start3A_128 : memref<64xi32, #tpu.memory_space<vmem>>) semaphore(%arg21 : memref<!tpu.dma_semaphore, #tpu.memory_space<semaphore_mem>>)
    %dma_start3A_132 = arith.constant 448 : i32
    %dma_start3A_133 = tpu.memref_slice %arg7[%dma_start3A_132] : memref<512xi32, #tpu.memory_space<vmem>> -> memref<64xi32, #tpu.memory_space<vmem>>
    %dma_start3A_134 = arith.constant 0 : i32
    %dma_start3A_135 = arith.constant 0 : i32
    %dma_start3A_136 = tpu.memref_slice %arg4[%dma_start3A_134, %dma_start3A_135] : memref<1000000x128xf32, #tpu.memory_space<hbm>> -> memref<1000000x128xf32, #tpu.memory_space<hbm>>
    tpu.enqueue_indirect_dma source(%dma_start3A_136 : memref<1000000x128xf32, #tpu.memory_space<hbm>>) target(%arg15 : memref<64x128xf32, #tpu.memory_space<vmem>>) offsets(%dma_start3A_133 : memref<64xi32, #tpu.memory_space<vmem>>) semaphore(%arg21 : memref<!tpu.dma_semaphore, #tpu.memory_space<semaphore_mem>>)
    %dma_wait3A_137 = arith.constant 128 : i32
    %dma_wait3A_138 = tpu.memref_slice %arg7[%dma_wait3A_137] : memref<512xi32, #tpu.memory_space<vmem>> -> memref<64xi32, #tpu.memory_space<vmem>>
    %dma_wait3A_139 = arith.constant 0 : i32
    %dma_wait3A_140 = arith.constant 0 : i32
    %dma_wait3A_141 = tpu.memref_slice %arg3[%dma_wait3A_139, %dma_wait3A_140] : memref<1000000x128xf32, #tpu.memory_space<hbm>> -> memref<1000000x128xf32, #tpu.memory_space<hbm>>
    tpu.wait_indirect_dma semaphore(%arg22 : memref<!tpu.dma_semaphore, #tpu.memory_space<semaphore_mem>>) src(%dma_wait3A_141 : memref<1000000x128xf32, #tpu.memory_space<hbm>>) dst(%arg10 : memref<64x128xf32, #tpu.memory_space<vmem>>)
    %dma_wait3A_142 = arith.constant 128 : i32
    %dma_wait3A_143 = tpu.memref_slice %arg7[%dma_wait3A_142] : memref<512xi32, #tpu.memory_space<vmem>> -> memref<64xi32, #tpu.memory_space<vmem>>
    %dma_wait3A_144 = arith.constant 0 : i32
    %dma_wait3A_145 = arith.constant 0 : i32
    %dma_wait3A_146 = tpu.memref_slice %arg4[%dma_wait3A_144, %dma_wait3A_145] : memref<1000000x128xf32, #tpu.memory_space<hbm>> -> memref<1000000x128xf32, #tpu.memory_space<hbm>>
    tpu.wait_indirect_dma semaphore(%arg22 : memref<!tpu.dma_semaphore, #tpu.memory_space<semaphore_mem>>) src(%dma_wait3A_146 : memref<1000000x128xf32, #tpu.memory_space<hbm>>) dst(%arg16 : memref<64x128xf32, #tpu.memory_space<vmem>>)
    %add3A_147 = arith.constant 128 : i32
    %add3A_148 = arith.addi %mul3A_2, %add3A_147 : i32
    %dma_start3A_149 = arith.constant 0 : i32
    %dma_start3A_150 = tpu.memref_slice %arg5[%add3A_148, %dma_start3A_149] : memref<16384x128xf32, #tpu.memory_space<hbm>> -> memref<64x128xf32, #tpu.memory_space<hbm>>
    %dma_start3A_151 = arith.constant 0 : i32
    %dma_start3A_152 = tpu.memref_slice %arg5[%add3A_148, %dma_start3A_151] : memref<16384x128xf32, #tpu.memory_space<hbm>> -> memref<64x128xf32, #tpu.memory_space<hbm>>
    tpu.enqueue_dma source(%arg10 : memref<64x128xf32, #tpu.memory_space<vmem>>) target(%dma_start3A_152 : memref<64x128xf32, #tpu.memory_space<hbm>>) target_semaphore(%arg28 : memref<!tpu.dma_semaphore, #tpu.memory_space<semaphore_mem>>)
    %dma_start3A_153 = arith.constant 0 : i32
    %dma_start3A_154 = tpu.memref_slice %arg6[%add3A_148, %dma_start3A_153] : memref<16384x128xf32, #tpu.memory_space<hbm>> -> memref<64x128xf32, #tpu.memory_space<hbm>>
    %dma_start3A_155 = arith.constant 0 : i32
    %dma_start3A_156 = tpu.memref_slice %arg6[%add3A_148, %dma_start3A_155] : memref<16384x128xf32, #tpu.memory_space<hbm>> -> memref<64x128xf32, #tpu.memory_space<hbm>>
    tpu.enqueue_dma source(%arg16 : memref<64x128xf32, #tpu.memory_space<vmem>>) target(%dma_start3A_156 : memref<64x128xf32, #tpu.memory_space<hbm>>) target_semaphore(%arg28 : memref<!tpu.dma_semaphore, #tpu.memory_space<semaphore_mem>>)
    %dma_wait3A_157 = arith.constant 192 : i32
    %dma_wait3A_158 = tpu.memref_slice %arg7[%dma_wait3A_157] : memref<512xi32, #tpu.memory_space<vmem>> -> memref<64xi32, #tpu.memory_space<vmem>>
    %dma_wait3A_159 = arith.constant 0 : i32
    %dma_wait3A_160 = arith.constant 0 : i32
    %dma_wait3A_161 = tpu.memref_slice %arg3[%dma_wait3A_159, %dma_wait3A_160] : memref<1000000x128xf32, #tpu.memory_space<hbm>> -> memref<1000000x128xf32, #tpu.memory_space<hbm>>
    tpu.wait_indirect_dma semaphore(%arg23 : memref<!tpu.dma_semaphore, #tpu.memory_space<semaphore_mem>>) src(%dma_wait3A_161 : memref<1000000x128xf32, #tpu.memory_space<hbm>>) dst(%arg11 : memref<64x128xf32, #tpu.memory_space<vmem>>)
    %dma_wait3A_162 = arith.constant 192 : i32
    %dma_wait3A_163 = tpu.memref_slice %arg7[%dma_wait3A_162] : memref<512xi32, #tpu.memory_space<vmem>> -> memref<64xi32, #tpu.memory_space<vmem>>
    %dma_wait3A_164 = arith.constant 0 : i32
    %dma_wait3A_165 = arith.constant 0 : i32
    %dma_wait3A_166 = tpu.memref_slice %arg4[%dma_wait3A_164, %dma_wait3A_165] : memref<1000000x128xf32, #tpu.memory_space<hbm>> -> memref<1000000x128xf32, #tpu.memory_space<hbm>>
    tpu.wait_indirect_dma semaphore(%arg23 : memref<!tpu.dma_semaphore, #tpu.memory_space<semaphore_mem>>) src(%dma_wait3A_166 : memref<1000000x128xf32, #tpu.memory_space<hbm>>) dst(%arg17 : memref<64x128xf32, #tpu.memory_space<vmem>>)
    %add3A_167 = arith.constant 192 : i32
    %add3A_168 = arith.addi %mul3A_2, %add3A_167 : i32
    %dma_start3A_169 = arith.constant 0 : i32
    %dma_start3A_170 = tpu.memref_slice %arg5[%add3A_168, %dma_start3A_169] : memref<16384x128xf32, #tpu.memory_space<hbm>> -> memref<64x128xf32, #tpu.memory_space<hbm>>
    %dma_start3A_171 = arith.constant 0 : i32
    %dma_start3A_172 = tpu.memref_slice %arg5[%add3A_168, %dma_start3A_171] : memref<16384x128xf32, #tpu.memory_space<hbm>> -> memref<64x128xf32, #tpu.memory_space<hbm>>
    tpu.enqueue_dma source(%arg11 : memref<64x128xf32, #tpu.memory_space<vmem>>) target(%dma_start3A_172 : memref<64x128xf32, #tpu.memory_space<hbm>>) target_semaphore(%arg29 : memref<!tpu.dma_semaphore, #tpu.memory_space<semaphore_mem>>)
    %dma_start3A_173 = arith.constant 0 : i32
    %dma_start3A_174 = tpu.memref_slice %arg6[%add3A_168, %dma_start3A_173] : memref<16384x128xf32, #tpu.memory_space<hbm>> -> memref<64x128xf32, #tpu.memory_space<hbm>>
    %dma_start3A_175 = arith.constant 0 : i32
    %dma_start3A_176 = tpu.memref_slice %arg6[%add3A_168, %dma_start3A_175] : memref<16384x128xf32, #tpu.memory_space<hbm>> -> memref<64x128xf32, #tpu.memory_space<hbm>>
    tpu.enqueue_dma source(%arg17 : memref<64x128xf32, #tpu.memory_space<vmem>>) target(%dma_start3A_176 : memref<64x128xf32, #tpu.memory_space<hbm>>) target_semaphore(%arg29 : memref<!tpu.dma_semaphore, #tpu.memory_space<semaphore_mem>>)
    %dma_wait3A_177 = arith.constant 256 : i32
    %dma_wait3A_178 = tpu.memref_slice %arg7[%dma_wait3A_177] : memref<512xi32, #tpu.memory_space<vmem>> -> memref<64xi32, #tpu.memory_space<vmem>>
    %dma_wait3A_179 = arith.constant 0 : i32
    %dma_wait3A_180 = arith.constant 0 : i32
    %dma_wait3A_181 = tpu.memref_slice %arg3[%dma_wait3A_179, %dma_wait3A_180] : memref<1000000x128xf32, #tpu.memory_space<hbm>> -> memref<1000000x128xf32, #tpu.memory_space<hbm>>
    tpu.wait_indirect_dma semaphore(%arg24 : memref<!tpu.dma_semaphore, #tpu.memory_space<semaphore_mem>>) src(%dma_wait3A_181 : memref<1000000x128xf32, #tpu.memory_space<hbm>>) dst(%arg12 : memref<64x128xf32, #tpu.memory_space<vmem>>)
    %dma_wait3A_182 = arith.constant 256 : i32
    %dma_wait3A_183 = tpu.memref_slice %arg7[%dma_wait3A_182] : memref<512xi32, #tpu.memory_space<vmem>> -> memref<64xi32, #tpu.memory_space<vmem>>
    %dma_wait3A_184 = arith.constant 0 : i32
    %dma_wait3A_185 = arith.constant 0 : i32
    %dma_wait3A_186 = tpu.memref_slice %arg4[%dma_wait3A_184, %dma_wait3A_185] : memref<1000000x128xf32, #tpu.memory_space<hbm>> -> memref<1000000x128xf32, #tpu.memory_space<hbm>>
    tpu.wait_indirect_dma semaphore(%arg24 : memref<!tpu.dma_semaphore, #tpu.memory_space<semaphore_mem>>) src(%dma_wait3A_186 : memref<1000000x128xf32, #tpu.memory_space<hbm>>) dst(%arg18 : memref<64x128xf32, #tpu.memory_space<vmem>>)
    %add3A_187 = arith.constant 256 : i32
    %add3A_188 = arith.addi %mul3A_2, %add3A_187 : i32
    %dma_start3A_189 = arith.constant 0 : i32
    %dma_start3A_190 = tpu.memref_slice %arg5[%add3A_188, %dma_start3A_189] : memref<16384x128xf32, #tpu.memory_space<hbm>> -> memref<64x128xf32, #tpu.memory_space<hbm>>
    %dma_start3A_191 = arith.constant 0 : i32
    %dma_start3A_192 = tpu.memref_slice %arg5[%add3A_188, %dma_start3A_191] : memref<16384x128xf32, #tpu.memory_space<hbm>> -> memref<64x128xf32, #tpu.memory_space<hbm>>
    tpu.enqueue_dma source(%arg12 : memref<64x128xf32, #tpu.memory_space<vmem>>) target(%dma_start3A_192 : memref<64x128xf32, #tpu.memory_space<hbm>>) target_semaphore(%arg30 : memref<!tpu.dma_semaphore, #tpu.memory_space<semaphore_mem>>)
    %dma_start3A_193 = arith.constant 0 : i32
    %dma_start3A_194 = tpu.memref_slice %arg6[%add3A_188, %dma_start3A_193] : memref<16384x128xf32, #tpu.memory_space<hbm>> -> memref<64x128xf32, #tpu.memory_space<hbm>>
    %dma_start3A_195 = arith.constant 0 : i32
    %dma_start3A_196 = tpu.memref_slice %arg6[%add3A_188, %dma_start3A_195] : memref<16384x128xf32, #tpu.memory_space<hbm>> -> memref<64x128xf32, #tpu.memory_space<hbm>>
    tpu.enqueue_dma source(%arg18 : memref<64x128xf32, #tpu.memory_space<vmem>>) target(%dma_start3A_196 : memref<64x128xf32, #tpu.memory_space<hbm>>) target_semaphore(%arg30 : memref<!tpu.dma_semaphore, #tpu.memory_space<semaphore_mem>>)
    %dma_wait3A_197 = arith.constant 320 : i32
    %dma_wait3A_198 = tpu.memref_slice %arg7[%dma_wait3A_197] : memref<512xi32, #tpu.memory_space<vmem>> -> memref<64xi32, #tpu.memory_space<vmem>>
    %dma_wait3A_199 = arith.constant 0 : i32
    %dma_wait3A_200 = arith.constant 0 : i32
    %dma_wait3A_201 = tpu.memref_slice %arg3[%dma_wait3A_199, %dma_wait3A_200] : memref<1000000x128xf32, #tpu.memory_space<hbm>> -> memref<1000000x128xf32, #tpu.memory_space<hbm>>
    tpu.wait_indirect_dma semaphore(%arg25 : memref<!tpu.dma_semaphore, #tpu.memory_space<semaphore_mem>>) src(%dma_wait3A_201 : memref<1000000x128xf32, #tpu.memory_space<hbm>>) dst(%arg13 : memref<64x128xf32, #tpu.memory_space<vmem>>)
    %dma_wait3A_202 = arith.constant 320 : i32
    %dma_wait3A_203 = tpu.memref_slice %arg7[%dma_wait3A_202] : memref<512xi32, #tpu.memory_space<vmem>> -> memref<64xi32, #tpu.memory_space<vmem>>
    %dma_wait3A_204 = arith.constant 0 : i32
    %dma_wait3A_205 = arith.constant 0 : i32
    %dma_wait3A_206 = tpu.memref_slice %arg4[%dma_wait3A_204, %dma_wait3A_205] : memref<1000000x128xf32, #tpu.memory_space<hbm>> -> memref<1000000x128xf32, #tpu.memory_space<hbm>>
    tpu.wait_indirect_dma semaphore(%arg25 : memref<!tpu.dma_semaphore, #tpu.memory_space<semaphore_mem>>) src(%dma_wait3A_206 : memref<1000000x128xf32, #tpu.memory_space<hbm>>) dst(%arg19 : memref<64x128xf32, #tpu.memory_space<vmem>>)
    %add3A_207 = arith.constant 320 : i32
    %add3A_208 = arith.addi %mul3A_2, %add3A_207 : i32
    %dma_start3A_209 = arith.constant 0 : i32
    %dma_start3A_210 = tpu.memref_slice %arg5[%add3A_208, %dma_start3A_209] : memref<16384x128xf32, #tpu.memory_space<hbm>> -> memref<64x128xf32, #tpu.memory_space<hbm>>
    %dma_start3A_211 = arith.constant 0 : i32
    %dma_start3A_212 = tpu.memref_slice %arg5[%add3A_208, %dma_start3A_211] : memref<16384x128xf32, #tpu.memory_space<hbm>> -> memref<64x128xf32, #tpu.memory_space<hbm>>
    tpu.enqueue_dma source(%arg13 : memref<64x128xf32, #tpu.memory_space<vmem>>) target(%dma_start3A_212 : memref<64x128xf32, #tpu.memory_space<hbm>>) target_semaphore(%arg31 : memref<!tpu.dma_semaphore, #tpu.memory_space<semaphore_mem>>)
    %dma_start3A_213 = arith.constant 0 : i32
    %dma_start3A_214 = tpu.memref_slice %arg6[%add3A_208, %dma_start3A_213] : memref<16384x128xf32, #tpu.memory_space<hbm>> -> memref<64x128xf32, #tpu.memory_space<hbm>>
    %dma_start3A_215 = arith.constant 0 : i32
    %dma_start3A_216 = tpu.memref_slice %arg6[%add3A_208, %dma_start3A_215] : memref<16384x128xf32, #tpu.memory_space<hbm>> -> memref<64x128xf32, #tpu.memory_space<hbm>>
    tpu.enqueue_dma source(%arg19 : memref<64x128xf32, #tpu.memory_space<vmem>>) target(%dma_start3A_216 : memref<64x128xf32, #tpu.memory_space<hbm>>) target_semaphore(%arg31 : memref<!tpu.dma_semaphore, #tpu.memory_space<semaphore_mem>>)
    %dma_wait3A_217 = arith.constant 384 : i32
    %dma_wait3A_218 = tpu.memref_slice %arg7[%dma_wait3A_217] : memref<512xi32, #tpu.memory_space<vmem>> -> memref<64xi32, #tpu.memory_space<vmem>>
    %dma_wait3A_219 = arith.constant 0 : i32
    %dma_wait3A_220 = arith.constant 0 : i32
    %dma_wait3A_221 = tpu.memref_slice %arg3[%dma_wait3A_219, %dma_wait3A_220] : memref<1000000x128xf32, #tpu.memory_space<hbm>> -> memref<1000000x128xf32, #tpu.memory_space<hbm>>
    tpu.wait_indirect_dma semaphore(%arg20 : memref<!tpu.dma_semaphore, #tpu.memory_space<semaphore_mem>>) src(%dma_wait3A_221 : memref<1000000x128xf32, #tpu.memory_space<hbm>>) dst(%arg8 : memref<64x128xf32, #tpu.memory_space<vmem>>)
    %dma_wait3A_222 = arith.constant 384 : i32
    %dma_wait3A_223 = tpu.memref_slice %arg7[%dma_wait3A_222] : memref<512xi32, #tpu.memory_space<vmem>> -> memref<64xi32, #tpu.memory_space<vmem>>
    %dma_wait3A_224 = arith.constant 0 : i32
    %dma_wait3A_225 = arith.constant 0 : i32
    %dma_wait3A_226 = tpu.memref_slice %arg4[%dma_wait3A_224, %dma_wait3A_225] : memref<1000000x128xf32, #tpu.memory_space<hbm>> -> memref<1000000x128xf32, #tpu.memory_space<hbm>>
    tpu.wait_indirect_dma semaphore(%arg20 : memref<!tpu.dma_semaphore, #tpu.memory_space<semaphore_mem>>) src(%dma_wait3A_226 : memref<1000000x128xf32, #tpu.memory_space<hbm>>) dst(%arg14 : memref<64x128xf32, #tpu.memory_space<vmem>>)
    %add3A_227 = arith.constant 384 : i32
    %add3A_228 = arith.addi %mul3A_2, %add3A_227 : i32
    %dma_start3A_229 = arith.constant 0 : i32
    %dma_start3A_230 = tpu.memref_slice %arg5[%add3A_228, %dma_start3A_229] : memref<16384x128xf32, #tpu.memory_space<hbm>> -> memref<64x128xf32, #tpu.memory_space<hbm>>
    %dma_start3A_231 = arith.constant 0 : i32
    %dma_start3A_232 = tpu.memref_slice %arg5[%add3A_228, %dma_start3A_231] : memref<16384x128xf32, #tpu.memory_space<hbm>> -> memref<64x128xf32, #tpu.memory_space<hbm>>
    tpu.enqueue_dma source(%arg8 : memref<64x128xf32, #tpu.memory_space<vmem>>) target(%dma_start3A_232 : memref<64x128xf32, #tpu.memory_space<hbm>>) target_semaphore(%arg26 : memref<!tpu.dma_semaphore, #tpu.memory_space<semaphore_mem>>)
    %dma_start3A_233 = arith.constant 0 : i32
    %dma_start3A_234 = tpu.memref_slice %arg6[%add3A_228, %dma_start3A_233] : memref<16384x128xf32, #tpu.memory_space<hbm>> -> memref<64x128xf32, #tpu.memory_space<hbm>>
    %dma_start3A_235 = arith.constant 0 : i32
    %dma_start3A_236 = tpu.memref_slice %arg6[%add3A_228, %dma_start3A_235] : memref<16384x128xf32, #tpu.memory_space<hbm>> -> memref<64x128xf32, #tpu.memory_space<hbm>>
    tpu.enqueue_dma source(%arg14 : memref<64x128xf32, #tpu.memory_space<vmem>>) target(%dma_start3A_236 : memref<64x128xf32, #tpu.memory_space<hbm>>) target_semaphore(%arg26 : memref<!tpu.dma_semaphore, #tpu.memory_space<semaphore_mem>>)
    %dma_wait3A_237 = arith.constant 448 : i32
    %dma_wait3A_238 = tpu.memref_slice %arg7[%dma_wait3A_237] : memref<512xi32, #tpu.memory_space<vmem>> -> memref<64xi32, #tpu.memory_space<vmem>>
    %dma_wait3A_239 = arith.constant 0 : i32
    %dma_wait3A_240 = arith.constant 0 : i32
    %dma_wait3A_241 = tpu.memref_slice %arg3[%dma_wait3A_239, %dma_wait3A_240] : memref<1000000x128xf32, #tpu.memory_space<hbm>> -> memref<1000000x128xf32, #tpu.memory_space<hbm>>
    tpu.wait_indirect_dma semaphore(%arg21 : memref<!tpu.dma_semaphore, #tpu.memory_space<semaphore_mem>>) src(%dma_wait3A_241 : memref<1000000x128xf32, #tpu.memory_space<hbm>>) dst(%arg9 : memref<64x128xf32, #tpu.memory_space<vmem>>)
    %dma_wait3A_242 = arith.constant 448 : i32
    %dma_wait3A_243 = tpu.memref_slice %arg7[%dma_wait3A_242] : memref<512xi32, #tpu.memory_space<vmem>> -> memref<64xi32, #tpu.memory_space<vmem>>
    %dma_wait3A_244 = arith.constant 0 : i32
    %dma_wait3A_245 = arith.constant 0 : i32
    %dma_wait3A_246 = tpu.memref_slice %arg4[%dma_wait3A_244, %dma_wait3A_245] : memref<1000000x128xf32, #tpu.memory_space<hbm>> -> memref<1000000x128xf32, #tpu.memory_space<hbm>>
    tpu.wait_indirect_dma semaphore(%arg21 : memref<!tpu.dma_semaphore, #tpu.memory_space<semaphore_mem>>) src(%dma_wait3A_246 : memref<1000000x128xf32, #tpu.memory_space<hbm>>) dst(%arg15 : memref<64x128xf32, #tpu.memory_space<vmem>>)
    %add3A_247 = arith.constant 448 : i32
    %add3A_248 = arith.addi %mul3A_2, %add3A_247 : i32
    %dma_start3A_249 = arith.constant 0 : i32
    %dma_start3A_250 = tpu.memref_slice %arg5[%add3A_248, %dma_start3A_249] : memref<16384x128xf32, #tpu.memory_space<hbm>> -> memref<64x128xf32, #tpu.memory_space<hbm>>
    %dma_start3A_251 = arith.constant 0 : i32
    %dma_start3A_252 = tpu.memref_slice %arg5[%add3A_248, %dma_start3A_251] : memref<16384x128xf32, #tpu.memory_space<hbm>> -> memref<64x128xf32, #tpu.memory_space<hbm>>
    tpu.enqueue_dma source(%arg9 : memref<64x128xf32, #tpu.memory_space<vmem>>) target(%dma_start3A_252 : memref<64x128xf32, #tpu.memory_space<hbm>>) target_semaphore(%arg27 : memref<!tpu.dma_semaphore, #tpu.memory_space<semaphore_mem>>)
    %dma_start3A_253 = arith.constant 0 : i32
    %dma_start3A_254 = tpu.memref_slice %arg6[%add3A_248, %dma_start3A_253] : memref<16384x128xf32, #tpu.memory_space<hbm>> -> memref<64x128xf32, #tpu.memory_space<hbm>>
    %dma_start3A_255 = arith.constant 0 : i32
    %dma_start3A_256 = tpu.memref_slice %arg6[%add3A_248, %dma_start3A_255] : memref<16384x128xf32, #tpu.memory_space<hbm>> -> memref<64x128xf32, #tpu.memory_space<hbm>>
    tpu.enqueue_dma source(%arg15 : memref<64x128xf32, #tpu.memory_space<vmem>>) target(%dma_start3A_256 : memref<64x128xf32, #tpu.memory_space<hbm>>) target_semaphore(%arg27 : memref<!tpu.dma_semaphore, #tpu.memory_space<semaphore_mem>>)
    %dma_wait3A_257 = arith.constant 0 : i32
    %dma_wait3A_258 = tpu.memref_slice %arg5[%add3A_148, %dma_wait3A_257] : memref<16384x128xf32, #tpu.memory_space<hbm>> -> memref<64x128xf32, #tpu.memory_space<hbm>>
    %dma_wait3A_259 = arith.constant 0 : i32
    %dma_wait3A_260 = tpu.memref_slice %arg5[%add3A_148, %dma_wait3A_259] : memref<16384x128xf32, #tpu.memory_space<hbm>> -> memref<64x128xf32, #tpu.memory_space<hbm>>
    tpu.wait_dma2 semaphore(%arg28 : memref<!tpu.dma_semaphore, #tpu.memory_space<semaphore_mem>>) src(%arg10 : memref<64x128xf32, #tpu.memory_space<vmem>>) dst(%dma_wait3A_260 : memref<64x128xf32, #tpu.memory_space<hbm>>)
    %dma_wait3A_261 = arith.constant 0 : i32
    %dma_wait3A_262 = tpu.memref_slice %arg6[%add3A_148, %dma_wait3A_261] : memref<16384x128xf32, #tpu.memory_space<hbm>> -> memref<64x128xf32, #tpu.memory_space<hbm>>
    %dma_wait3A_263 = arith.constant 0 : i32
    %dma_wait3A_264 = tpu.memref_slice %arg6[%add3A_148, %dma_wait3A_263] : memref<16384x128xf32, #tpu.memory_space<hbm>> -> memref<64x128xf32, #tpu.memory_space<hbm>>
    tpu.wait_dma2 semaphore(%arg28 : memref<!tpu.dma_semaphore, #tpu.memory_space<semaphore_mem>>) src(%arg16 : memref<64x128xf32, #tpu.memory_space<vmem>>) dst(%dma_wait3A_264 : memref<64x128xf32, #tpu.memory_space<hbm>>)
    %dma_wait3A_265 = arith.constant 0 : i32
    %dma_wait3A_266 = tpu.memref_slice %arg5[%add3A_168, %dma_wait3A_265] : memref<16384x128xf32, #tpu.memory_space<hbm>> -> memref<64x128xf32, #tpu.memory_space<hbm>>
    %dma_wait3A_267 = arith.constant 0 : i32
    %dma_wait3A_268 = tpu.memref_slice %arg5[%add3A_168, %dma_wait3A_267] : memref<16384x128xf32, #tpu.memory_space<hbm>> -> memref<64x128xf32, #tpu.memory_space<hbm>>
    tpu.wait_dma2 semaphore(%arg29 : memref<!tpu.dma_semaphore, #tpu.memory_space<semaphore_mem>>) src(%arg11 : memref<64x128xf32, #tpu.memory_space<vmem>>) dst(%dma_wait3A_268 : memref<64x128xf32, #tpu.memory_space<hbm>>)
    %dma_wait3A_269 = arith.constant 0 : i32
    %dma_wait3A_270 = tpu.memref_slice %arg6[%add3A_168, %dma_wait3A_269] : memref<16384x128xf32, #tpu.memory_space<hbm>> -> memref<64x128xf32, #tpu.memory_space<hbm>>
    %dma_wait3A_271 = arith.constant 0 : i32
    %dma_wait3A_272 = tpu.memref_slice %arg6[%add3A_168, %dma_wait3A_271] : memref<16384x128xf32, #tpu.memory_space<hbm>> -> memref<64x128xf32, #tpu.memory_space<hbm>>
    tpu.wait_dma2 semaphore(%arg29 : memref<!tpu.dma_semaphore, #tpu.memory_space<semaphore_mem>>) src(%arg17 : memref<64x128xf32, #tpu.memory_space<vmem>>) dst(%dma_wait3A_272 : memref<64x128xf32, #tpu.memory_space<hbm>>)
    %dma_wait3A_273 = arith.constant 0 : i32
    %dma_wait3A_274 = tpu.memref_slice %arg5[%add3A_188, %dma_wait3A_273] : memref<16384x128xf32, #tpu.memory_space<hbm>> -> memref<64x128xf32, #tpu.memory_space<hbm>>
    %dma_wait3A_275 = arith.constant 0 : i32
    %dma_wait3A_276 = tpu.memref_slice %arg5[%add3A_188, %dma_wait3A_275] : memref<16384x128xf32, #tpu.memory_space<hbm>> -> memref<64x128xf32, #tpu.memory_space<hbm>>
    tpu.wait_dma2 semaphore(%arg30 : memref<!tpu.dma_semaphore, #tpu.memory_space<semaphore_mem>>) src(%arg12 : memref<64x128xf32, #tpu.memory_space<vmem>>) dst(%dma_wait3A_276 : memref<64x128xf32, #tpu.memory_space<hbm>>)
    %dma_wait3A_277 = arith.constant 0 : i32
    %dma_wait3A_278 = tpu.memref_slice %arg6[%add3A_188, %dma_wait3A_277] : memref<16384x128xf32, #tpu.memory_space<hbm>> -> memref<64x128xf32, #tpu.memory_space<hbm>>
    %dma_wait3A_279 = arith.constant 0 : i32
    %dma_wait3A_280 = tpu.memref_slice %arg6[%add3A_188, %dma_wait3A_279] : memref<16384x128xf32, #tpu.memory_space<hbm>> -> memref<64x128xf32, #tpu.memory_space<hbm>>
    tpu.wait_dma2 semaphore(%arg30 : memref<!tpu.dma_semaphore, #tpu.memory_space<semaphore_mem>>) src(%arg18 : memref<64x128xf32, #tpu.memory_space<vmem>>) dst(%dma_wait3A_280 : memref<64x128xf32, #tpu.memory_space<hbm>>)
    %dma_wait3A_281 = arith.constant 0 : i32
    %dma_wait3A_282 = tpu.memref_slice %arg5[%add3A_208, %dma_wait3A_281] : memref<16384x128xf32, #tpu.memory_space<hbm>> -> memref<64x128xf32, #tpu.memory_space<hbm>>
    %dma_wait3A_283 = arith.constant 0 : i32
    %dma_wait3A_284 = tpu.memref_slice %arg5[%add3A_208, %dma_wait3A_283] : memref<16384x128xf32, #tpu.memory_space<hbm>> -> memref<64x128xf32, #tpu.memory_space<hbm>>
    tpu.wait_dma2 semaphore(%arg31 : memref<!tpu.dma_semaphore, #tpu.memory_space<semaphore_mem>>) src(%arg13 : memref<64x128xf32, #tpu.memory_space<vmem>>) dst(%dma_wait3A_284 : memref<64x128xf32, #tpu.memory_space<hbm>>)
    %dma_wait3A_285 = arith.constant 0 : i32
    %dma_wait3A_286 = tpu.memref_slice %arg6[%add3A_208, %dma_wait3A_285] : memref<16384x128xf32, #tpu.memory_space<hbm>> -> memref<64x128xf32, #tpu.memory_space<hbm>>
    %dma_wait3A_287 = arith.constant 0 : i32
    %dma_wait3A_288 = tpu.memref_slice %arg6[%add3A_208, %dma_wait3A_287] : memref<16384x128xf32, #tpu.memory_space<hbm>> -> memref<64x128xf32, #tpu.memory_space<hbm>>
    tpu.wait_dma2 semaphore(%arg31 : memref<!tpu.dma_semaphore, #tpu.memory_space<semaphore_mem>>) src(%arg19 : memref<64x128xf32, #tpu.memory_space<vmem>>) dst(%dma_wait3A_288 : memref<64x128xf32, #tpu.memory_space<hbm>>)
    %dma_wait3A_289 = arith.constant 0 : i32
    %dma_wait3A_290 = tpu.memref_slice %arg5[%add3A_228, %dma_wait3A_289] : memref<16384x128xf32, #tpu.memory_space<hbm>> -> memref<64x128xf32, #tpu.memory_space<hbm>>
    %dma_wait3A_291 = arith.constant 0 : i32
    %dma_wait3A_292 = tpu.memref_slice %arg5[%add3A_228, %dma_wait3A_291] : memref<16384x128xf32, #tpu.memory_space<hbm>> -> memref<64x128xf32, #tpu.memory_space<hbm>>
    tpu.wait_dma2 semaphore(%arg26 : memref<!tpu.dma_semaphore, #tpu.memory_space<semaphore_mem>>) src(%arg8 : memref<64x128xf32, #tpu.memory_space<vmem>>) dst(%dma_wait3A_292 : memref<64x128xf32, #tpu.memory_space<hbm>>)
    %dma_wait3A_293 = arith.constant 0 : i32
    %dma_wait3A_294 = tpu.memref_slice %arg6[%add3A_228, %dma_wait3A_293] : memref<16384x128xf32, #tpu.memory_space<hbm>> -> memref<64x128xf32, #tpu.memory_space<hbm>>
    %dma_wait3A_295 = arith.constant 0 : i32
    %dma_wait3A_296 = tpu.memref_slice %arg6[%add3A_228, %dma_wait3A_295] : memref<16384x128xf32, #tpu.memory_space<hbm>> -> memref<64x128xf32, #tpu.memory_space<hbm>>
    tpu.wait_dma2 semaphore(%arg26 : memref<!tpu.dma_semaphore, #tpu.memory_space<semaphore_mem>>) src(%arg14 : memref<64x128xf32, #tpu.memory_space<vmem>>) dst(%dma_wait3A_296 : memref<64x128xf32, #tpu.memory_space<hbm>>)
    %dma_wait3A_297 = arith.constant 0 : i32
    %dma_wait3A_298 = tpu.memref_slice %arg5[%add3A_248, %dma_wait3A_297] : memref<16384x128xf32, #tpu.memory_space<hbm>> -> memref<64x128xf32, #tpu.memory_space<hbm>>
    %dma_wait3A_299 = arith.constant 0 : i32
    %dma_wait3A_300 = tpu.memref_slice %arg5[%add3A_248, %dma_wait3A_299] : memref<16384x128xf32, #tpu.memory_space<hbm>> -> memref<64x128xf32, #tpu.memory_space<hbm>>
    tpu.wait_dma2 semaphore(%arg27 : memref<!tpu.dma_semaphore, #tpu.memory_space<semaphore_mem>>) src(%arg9 : memref<64x128xf32, #tpu.memory_space<vmem>>) dst(%dma_wait3A_300 : memref<64x128xf32, #tpu.memory_space<hbm>>)
    %dma_wait3A_301 = arith.constant 0 : i32
    %dma_wait3A_302 = tpu.memref_slice %arg6[%add3A_248, %dma_wait3A_301] : memref<16384x128xf32, #tpu.memory_space<hbm>> -> memref<64x128xf32, #tpu.memory_space<hbm>>
    %dma_wait3A_303 = arith.constant 0 : i32
    %dma_wait3A_304 = tpu.memref_slice %arg6[%add3A_248, %dma_wait3A_303] : memref<16384x128xf32, #tpu.memory_space<hbm>> -> memref<64x128xf32, #tpu.memory_space<hbm>>
    tpu.wait_dma2 semaphore(%arg27 : memref<!tpu.dma_semaphore, #tpu.memory_space<semaphore_mem>>) src(%arg15 : memref<64x128xf32, #tpu.memory_space<vmem>>) dst(%dma_wait3A_304 : memref<64x128xf32, #tpu.memory_space<hbm>>)
    return
  }
}

</mosaic_0001>

<sc_bundles>
// kernel: kernel.3.cloned.1.call-start
scs
__scs_entry_jumppad:
0x0: {  	(pc) =	sbr.rel $0x88, $3  }
0x1: {  	(tag) =	ssettag $0x0;
	lr =	simm.s32 $0x1  }
0x2: {  	[smem:$0x3F9E] =	sst lr;
	_ =	strace $0xD0000000  }
0x3: {  	_ = 	snop  }
0x4: {  	_ = 	snop  }
0x5: {  	_ = 	snop  }
0x6: {  	_ = 	snop  }
0x7: {  	_ = 	snop  }
__scs_overlays_trampoline_lowered:
0x8: {  	[smem:$0x3FAD] =	sst s0  }
0x9: {  	[smem:$0x3FAE] =	sst s1  }
0xa: {  	[smem:$0x3FAF] =	sst s2  }
0xb: {  	[smem:$0x3FB0] =	sst s3  }
0xc: {  	[smem:$0x3FB1] =	sst s4  }
0xd: {  	[smem:$0x3FB2] =	sst s5  }
0xe: {  	[smem:$0x3FB3] =	sst s6  }
0xf: {  	[smem:$0x3FB4] =	sst s7  }
0x10: {  	[smem:$0x3FB5] =	sst s8  }
0x11: {  	[smem:$0x3FB6] =	sst s9;
	s0 =	simm.s32 @!p0 $0x0  }
0x12: {  	s1 =	sld [smem:$0x3F9C];
	s0 =	simm.s32 @p0 $0x1  }
0x13: {  	[smem:$0x3FB7] =	sst s0;
	s0 =	simm.s32 @!p1 $0x0  }
0x14: {  	s2 =	sld [smem:$0x3F9B];
	s0 =	simm.s32 @p1 $0x1  }
0x15: {  	[smem:$0x3FB8] =	sst s0;
	s0 =	simm.s32 @!p2 $0x0  }
0x16: {  	s3 =	sld [smem:$0x3FDB];
	s0 =	simm.s32 @p2 $0x1  }
0x17: {  	s4 =	simm.s32 $0x1BF5;
	[smem:$0x3FBA] =	sst s0  }
0x18: {  	s0 =	sld [smem:$0x3F9D];
	_ =	swait.ge [sflag:s4], $0x0  }
0x19: {  	s7 =	sld [smem:$0x3F9E]  }
0x1a: {  	s8 =	sadd.s32 $0xFFFFE003, lr  }
0x1b: {  	s9 =	sadd.s32 $0xFFFFFEF7, lr;
	s5 =	simm.s32 $0xFFFFFFFF;
	p2 =	slt.u32 s8, $0xFFFFF086  }
0x1c: {  	p1 =	slt.u32 s9, $0xF7A;
	s5 =	simm.s32 @!p2 $0x0  }
0x1d: {  	s5 =	simm.s32 @p1 $0x1;
	p0 =	seq.s32 s7, s2  }
0x1e: {  	s7 =	smul.u32 @!p0 $0xF7A, s2;
	p2 =	seq.s32 @!p0 s5, $0x0  }
0x1f: {  	s9 =	smul.u32 $0xF7A, s1;
	s8 =	simm.s32 @!p0 $0x1BF5;
	p2 =	por !p2, p0  }
0x20: {  	[sflag:s8] =	ssyncset.s32 @!p0 $0xFFFFF086;
	s6 =	sadd.s32 @!p0 s3, s7;
	s7 =	simm.s32 @!p0 $0x108  }
0x21: {  	s3 =	sadd.s32 s3, s9;
	s6 =	sadd.s32 @!p0 $0x88, s6;
	s7 =	simm.s32 @p2 $0x1082  }
0x22: {  	[simem:s7], [sflag:s8] =	dma.local @!p0 [hbm:s6], $0xF7A  }
0x23: {  	s9 =	sor.u32 $0xD0000000, s2;
	s6 =	simm.s32 $0x108;
	_ =	swait.ge @!p0 [sflag:s8], $0x0  }
0x24: {  	s3 =	sadd.s32 $0x88, s3;
	s6 =	simm.s32 @!p1 $0x1082;
	[sflag:s4] =	ssyncset.s32 $0xFFFFF086  }
0x25: {  	[simem:s6], [sflag:s4] =	dma.local [hbm:s3], $0xF7A  }
0x26: {  	[smem:$0x3F9E] =	sst s1;
	(tag) =	ssettag s2;
	_ =	strace s9  }
0x27: {  	s1 =	sld [smem:$0x3FAE]  }
0x28: {  	s2 =	sld [smem:$0x3FAF]  }
0x29: {  	s4 =	sld [smem:$0x3FB1]  }
0x2a: {  	p0 =	seq.s32 s5, $0x0;
	s5 =	sld [smem:$0x3FB2]  }
0x2b: {  	s6 =	sld [smem:$0x3FB3]  }
0x2c: {  	s7 =	sld [smem:$0x3FB4]  }
0x2d: {  	s3 =	simm.s32 $0x108;
	s8 =	sld [smem:$0x3FB5]  }
0x2e: {  	s3 =	simm.s32 @!p0 $0x1082;
	s9 =	sld [smem:$0x3FB6]  }
0x2f: {  	lr =	sadd.s32 s0, s3;
	s0 =	sld [smem:$0x3FAD]  }
0x30: {  	s3 =	sld [smem:$0x3FB0]  }
0x31: {  	[smem:$0x3FB9] =	sst s10  }
0x32: {  	s10 =	sld [smem:$0x3FB7];
	_ =	sdelay $0x3  }
0x33: {  	p0 =	seq.s32 s10, $0x1;
	s10 =	sld [smem:$0x3FB9];
	_ =	sdelay $0x3  }
0x34: {  	[smem:$0x3FB9] =	sst s10  }
0x35: {  	s10 =	sld [smem:$0x3FB8];
	_ =	sdelay $0x3  }
0x36: {  	p1 =	seq.s32 s10, $0x1;
	s10 =	sld [smem:$0x3FB9];
	_ =	sdelay $0x3  }
0x37: {  	[smem:$0x3FB9] =	sst s10  }
0x38: {  	s10 =	sld [smem:$0x3FBA]  }
0x39: {  	_ = 	snop;
	(pc) =	sbr.ind lr, $3  }
0x3a: {  	_ = 	snop  }
0x3b: {  	_ = 	snop  }
0x3c: {  	p2 =	seq.s32 s10, $0x1;
	s10 =	sld [smem:$0x3FB9]  }
0x3d: {  	_ =	shalt  }
0x3e: {  	_ =	shalt  }
0x3f: {  	_ =	shalt  }
0x40: {  	_ =	shalt  }
0x41: {  	_ =	shalt  }
0x42: {  	_ =	shalt  }
0x43: {  	_ =	shalt  }
0x44: {  	_ =	shalt  }
0x45: {  	_ =	shalt  }
0x46: {  	_ =	shalt  }
0x47: {  	_ =	shalt  }
0x48: {  	_ =	shalt  }
0x49: {  	_ =	shalt  }
0x4a: {  	_ =	shalt  }
0x4b: {  	_ =	shalt  }
0x4c: {  	_ =	shalt  }
0x4d: {  	_ =	shalt  }
0x4e: {  	_ =	shalt  }
0x4f: {  	_ =	shalt  }
0x50: {  	_ =	shalt  }
0x51: {  	_ =	shalt  }
0x52: {  	_ =	shalt  }
0x53: {  	_ =	shalt  }
0x54: {  	_ =	shalt  }
0x55: {  	_ =	shalt  }
0x56: {  	_ =	shalt  }
0x57: {  	_ =	shalt  }
0x58: {  	_ =	shalt  }
0x59: {  	_ =	shalt  }
0x5a: {  	_ =	shalt  }
0x5b: {  	_ =	shalt  }
0x5c: {  	_ =	shalt  }
0x5d: {  	_ =	shalt  }
0x5e: {  	_ =	shalt  }
0x5f: {  	_ =	shalt  }
0x60: {  	_ =	shalt  }
0x61: {  	_ =	shalt  }
0x62: {  	_ =	shalt  }
0x63: {  	_ =	shalt  }
0x64: {  	_ =	shalt  }
0x65: {  	_ =	shalt  }
0x66: {  	_ =	shalt  }
0x67: {  	_ =	shalt  }
0x68: {  	_ =	shalt  }
0x69: {  	_ =	shalt  }
0x6a: {  	_ =	shalt  }
0x6b: {  	_ =	shalt  }
0x6c: {  	_ =	shalt  }
0x6d: {  	_ =	shalt  }
0x6e: {  	_ =	shalt  }
0x6f: {  	_ =	shalt  }
0x70: {  	_ =	shalt  }
0x71: {  	_ =	shalt  }
0x72: {  	_ =	shalt  }
0x73: {  	_ =	shalt  }
0x74: {  	_ =	shalt  }
0x75: {  	_ =	shalt  }
0x76: {  	_ =	shalt  }
0x77: {  	_ =	shalt  }
0x78: {  	_ =	shalt  }
0x79: {  	_ =	shalt  }
0x7a: {  	_ =	shalt  }
0x7b: {  	_ =	shalt  }
0x7c: {  	_ =	shalt  }
0x7d: {  	_ =	shalt  }
0x7e: {  	_ =	shalt  }
0x7f: {  	_ =	shalt  }
0x80: {  	_ =	shalt  }
0x81: {  	_ =	shalt  }
0x82: {  	_ =	shalt  }
0x83: {  	_ =	shalt  }
0x84: {  	_ =	shalt  }
0x85: {  	_ =	shalt  }
0x86: {  	_ =	shalt  }
0x87: {  	_ =	shalt  }
.Lfunc_end0:
.L_simem_size_0:
called_computation_lowered:
.L_overlay_start_0:
0x88: {  	s2 =	sld [smem:$0x3FD9]  }
0x89: {  	s3 =	sld [smem:$0x3FFE];
	_ =	sdelay $0x1  }
0x8a: {  	s1 =	srdreg.scid  }
0x8b: {  	s0 =	sand.u32 $0x1, s1  }
0x8c: {  	s15 =	sshll.u32 s0, $0xA;
	s2 =	sadd.s32 s3, s2  }
0x8d: {  	s2 =	sadd.s32 s2, s15  }
0x8e: {  	[smem:$0x3FC5] =	sst s2  }
0x8f: {  	_ = 	snop  }
0x90: {  	s2 =	sld [smem:$0x3FD0]  }
0x91: {  	s16 =	sld [smem:$0x3FC9]  }
0x92: {  	s4 =	sld [smem:$0x3FC8]  }
0x93: {  	s6 =	simm.s32 $0xA;
	s7 =	simm.s32 $0x10;
	s5 =	sld [smem:$0x3FC7]  }
0x94: {  	[smem:s7], [sflag:s6] =	dma.local [hbm:s2], $0x1  }
0x95: {  	_ =	swait.eq [sflag:s6], $0x1  }
0x96: {  	[sflag:s6] =	ssyncset.done $0x0  }
0x97: {  	s17 =	sld [smem:$0x10];
	[sflag:s6] =	ssyncadd.s32 $0xFFFFFFFF  }
0x98: {  	s18 =	sld [smem:$0x11];
	(tm) =	ssettm $0x1  }
0x99: {  	s19 =	sld [smem:$0x3FFB];
	_ =	sdelay $0x3  }
0x9a: {  	_ =	strace s19  }
0x9b: {  	s7 =	sld [smem:$0x3FFC];
	_ =	sdelay $0x3  }
0x9c: {  	_ =	strace s7  }
0x9d: {  	s7 =	sld [smem:$0x3FFD];
	_ =	sdelay $0x3  }
0x9e: {  	_ =	strace s7  }
0x9f: {  	_ =	strace $0x8FFFFFFF  }
0xa0: {  	s20 =	sld [smem:$0x3FDB];
	_ =	sdelay $0x1  }
0xa1: {  	s8 =	simm.s32 $_scs_section_size  }
0xa2: {  	s9 =	simm.s32 $_size__tile_overlayer_lowered;
	s10 =	simm.s32 $_tile_overlayer_lowered  }
0xa3: {  	s23 =	simm.s32 $0x1BFF;
	s22 =	sshll.u32 s10, $0x1;
	s7 =	sadd.s32 s8, s20  }
0xa4: {  	s11 =	simm.s32 $0x0;
	s21 =	sshll.u32 s9, $0x1;
	s9 =	sadd.s32 s22, s7  }
0xa5: {  	[timem:s11], [sflag:s23] =	dma.local [hbm:s9], s21  }
0xa6: {  	_ =	swait.ge [sflag:s23], s21  }
0xa7: {  	s8 =	ssub.s32 $0x0, s21;
	[sflag:s23] =	ssyncset.done $0x0  }
0xa8: {  	[sflag:s23] =	ssyncadd.s32 s8;
	_ =	sdelay $0x1  }
0xa9: {  	s24 =	simm.s32 $0x1B8B  }
0xaa: {  	_ =	swait.ge [sflag:s24], $0x1  }
0xab: {  	[sflag:s24] =	ssyncset.done $0x0  }
0xac: {  	s25 =	simm.s32 $0x1B8E;
	[sflag:s24] =	ssyncadd.s32 $0xFFFFFFFF  }
0xad: {  	s26 =	simm.s32 $execute0_lowered;
	[smem:$0x3FD2] =	sst s25  }
0xae: {  	s8 =	sshll.u32 s26, $0x1;
	_ =	strace $0x80000046;
	[dreg:$0x1] =	wrdreg $0xFFFFFFFF  }
0xaf: {  	s28 =	simm.s32 $_size_execute0_lowered;
	s7 =	sadd.s32 s7, s8;
	[dreg:$0x0] =	wrdreg $0x0  }
0xb0: {  	s8 =	sshll.u32 s28, $0x1;
	[dreg:$0x2] =	wrdreg s7  }
0xb1: {  	[dreg:$0x3] =	wrdreg s8  }
0xb2: {  	[dreg:$0x4] =	wrdreg $0xC0  }
0xb3: {  	_ =	task [dreg:s11], $0x5FFFF  }
0xb4: {  	[dreg:$0x1] =	wrdreg $0xFFFFFFFF  }
0xb5: {  	[dreg:$0x0] =	wrdreg $0x60  }
0xb6: {  	[dreg:$0x2] =	wrdreg s16  }
0xb7: {  	[dreg:$0x3] =	wrdreg s4  }
0xb8: {  	[dreg:$0x4] =	wrdreg s5  }
0xb9: {  	[dreg:$0x5] =	wrdreg s17  }
0xba: {  	[dreg:$0x6] =	wrdreg s18  }
0xbb: {  	[dreg:$0x7] =	wrdreg $0x9  }
0xbc: {  	_ =	task.clear_ibuf [dreg:s11], $0x8FFFF;
	_ =	strace $0x90000046  }
0xbd: {  	s29 =	simm.s32 $0x9;
	_ =	strace $0x80000048  }
0xbe: {  	_ =	swait.ge [sflag:s29], $0x1  }
0xbf: {  	[sflag:s29] =	ssyncadd.s32 $0xFFFFFFFF  }
0xc0: {  	_ =	strace $0x90000048  }
0xc1: {  	_ =	sfence  }
0xc2: {  	s30 =	sld [smem:$0x0];
	_ =	sdelay $0x2  }
0xc3: {  	s31 =	sshll.u32 s1, $0xD;
	s1 =	sshrl.u32 s1, $0x2  }
0xc4: {  	s3 =	sand.u32 $0x4000, s31;
	s1 =	sadd.s32 s1, s30  }
0xc5: {  	s0 =	sor.u32 s3, s0;
	s1 =	sshll.u32 s1, $0x11  }
0xc6: {  	s0 =	sor.u32 s1, s0  }
0xc7: {  	s0 =	sadd.s32 $0x8F2B, s0  }
0xc8: {  	[sflag:s0] =	ssyncadd.remote.s32 $0x1  }
0xc9: {  	_ =	sfence.sel $0xFFFF  }
0xca: {  	[dreg:$0x0] =	wrdreg $0xFFFFFFFF;
	(pc) =	sbr.abs _section_cstart, $3  }
0xcb: {  	[dreg:$0x1] =	wrdreg $0xFFFFFFFF  }
0xcc: {  	_ =	task.clear_ibuf [dreg:s11], $0x2FFFF;
	_ =	strace $0x9FFFFFFF  }
0xcd: {  	(tm) =	ssettm $0x7FFFFFFF  }
tec
execute0_lowered:
.L_overlay_start_1:
0x0: {  	(tag) =	ssettag $0x1  }
0x1: {  	s0 =	rddreg [dreg:$0x0]  }
0x2: {  	s5 =	rddreg [dreg:$0x1]  }
0x3: {  	s6 =	rddreg [dreg:$0x2]  }
0x4: {  	s1 =	srdreg.scid;
	s3 =	rddreg [dreg:$0x3]  }
0x5: {  	s2 =	stileid.u32;
	s4 =	rddreg [dreg:$0x4]  }
0x6: {  	s24 =	rddreg [dreg:$0x5];
	p0 =	por $0x0, $0x0;
	s1 =	sand.u32 $0x1, s1  }
0x7: {  	s30 =	simm.s32 $0x3;
	s8 =	sshll.u32 s2, $0x9;
	s7 =	sshll.u32 s1, $0xD  }
0x8: {  	s29 =	simm.s32 $0x4;
	s2 =	simm.s32 $0x0;
	s7 =	sor.u32 s8, s7  }
0x9: {  	s28 =	simm.s32 $0x5;
	[smem:$0x7FF] =	sst s2;
	s8 =	sshrl.u32 s7, $0x3  }
0xa: {  	s1 =	ssub.s32 $0x2, s1;
	s7 =	sshll.u32 s7, $0x4;
	s0 =	sadd.s32 s0, s8  }
0xb: {  	_ =	strace $0x80000047;
	s21 =	sadd.s32 s3, s7;
	[dreg:$0x6] =	wrdreg s0  }
0xc: {  	s22 =	sadd.s32 s4, s7;
	s23 =	sor.u32 $0x400, s7;
	[dreg:$0x7] =	wrdreg s21  }
0xd: {  	s31 =	sor.u32 $0x800, s7;
	[dreg:$0x8] =	wrdreg s22;
	s25 =	sadd.s32 s3, s23  }
0xe: {  	s11 =	sor.u32 $0xC00, s7;
	s26 =	sadd.s32 s4, s23;
	[dreg:$0x9] =	wrdreg s25  }
0xf: {  	s14 =	sor.u32 $0x1000, s7;
	s9 =	sadd.s32 s3, s31;
	[dreg:$0xa] =	wrdreg s26  }
0x10: {  	s17 =	sor.u32 $0x1400, s7;
	s10 =	sadd.s32 s4, s31;
	[dreg:$0xb] =	wrdreg s9  }
0x11: {  	s20 =	sor.u32 $0x1800, s7;
	s12 =	sadd.s32 s3, s11;
	[dreg:$0xc] =	wrdreg s10  }
0x12: {  	s7 =	sor.u32 $0x1C00, s7;
	s13 =	sadd.s32 s4, s11;
	[dreg:$0xd] =	wrdreg s12  }
0x13: {  	s8 =	simm.s32 $0xE200;
	s15 =	sadd.s32 s3, s14;
	[dreg:$0xe] =	wrdreg s13  }
0x14: {  	s16 =	sadd.s32 s4, s14;
	s18 =	sadd.s32 s3, s17;
	[dreg:$0xf] =	wrdreg s15  }
0x15: {  	s19 =	sadd.s32 s4, s17;
	s21 =	sadd.s32 s3, s20;
	[dreg:$0x10] =	wrdreg s16  }
0x16: {  	s22 =	sadd.s32 s4, s20;
	s23 =	sshrl.u32 s1, $0x1;
	[dreg:$0x11] =	wrdreg s18  }
0x17: {  	s0 =	simm.s32 $0xD;
	s11 =	simm.s32 $0xC200;
	[dreg:$0x12] =	wrdreg s19  }
0x18: {  	s20 =	simm.s32 $0x4200;
	s17 =	simm.s32 $0xC0;
	[dreg:$0x13] =	wrdreg s21  }
0x19: {  	s14 =	simm.s32 $0x9;
	[dreg:$0x14] =	wrdreg s22;
	s25 =	sadd.s32 s3, s7  }
0x1a: {  	s1 =	ssub.s32 s1, s23;
	s26 =	sadd.s32 s4, s7;
	s10 =	simm.s32 $0x200  }
0x1b: {  	s7 =	simm.s32 $0x2200;
	s21 =	simm.s32 $0x80;
	s31 =	smax.u32 s1, $0x1  }
0x1c: {  	s18 =	simm.s32 $0x10200;
	s19 =	simm.s32 $0x140;
	p1 =	sne.s32 s31, $0x1  }
.Ltmp0:
0x1d: {  	s16 =	simm.s32 $0x1;
	s3 =	simm.s32 $0x7;
	(pc) =	sbr.rel @!p1 .LBB2_5-.Ltmp0, $4  }
0x1e: {  	s15 =	simm.s32 $0x2;
	s4 =	simm.s32 $0x8;
	s22 =	rddreg [dreg:$0x6]  }
0x1f: {  	s23 =	simm.s32 $0x6;
	s13 =	simm.s32 $0xA;
	[dreg:$0x15] =	wrdreg s25  }
0x20: {  	s12 =	simm.s32 $0xB;
	s9 =	simm.s32 $0xC;
	[dreg:$0x16] =	wrdreg s26  }
0x21: {  	s26 =	simm.s32 $0x40;
	s25 =	simm.s32 $0x100;
	s1 =	sadd.s32 $0xFFFFFFFF, s31  }
0x22: {  	[tilespmem:s2], [sflag:$0xD] =	stream.linear.gather [hbm4b:s22+s2], $0x200, $0x38;
	[tilespmem:$0x18200] =	vst v63  }
0x23: {  	_ =	swait.ge [sflag:s0], $0x200  }
0x24: {  	[sflag:s0] =	ssyncset.done $0x0  }
0x25: {  	[sflag:s0] =	ssyncadd.s32 $0xFFFFFE00  }
0x26: {  	[tilespmem:s10], [sflag:$0x1] =	stream.indirect.gather [hbm4b:s5+s26], $0x80, s2, s26, $0xb8;
	[tilespmem:$0x18200] =	vst v63  }
0x27: {  	_ = 	snop  }
0x28: {  	[tilespmem:s11], [sflag:$0x1] =	stream.indirect.gather [hbm4b:s6+s26], $0x80, s2, s26, $0xb8;
	[tilespmem:$0x18200] =	vst v63  }
0x29: {  	_ = 	snop  }
0x2a: {  	[tilespmem:s7], [sflag:$0x2] =	stream.indirect.gather [hbm4b:s5+s26], $0x80, s26, s26, $0xb8;
	[tilespmem:$0x18200] =	vst v63  }
0x2b: {  	_ = 	snop  }
0x2c: {  	[tilespmem:s8], [sflag:$0x2] =	stream.indirect.gather [hbm4b:s6+s26], $0x80, s26, s26, $0xb8;
	[tilespmem:$0x18200] =	vst v63  }
0x2d: {  	_ = 	snop  }
0x2e: {  	[tilespmem:s20], [sflag:$0x3] =	stream.indirect.gather [hbm4b:s5+s26], $0x80, s21, s26, $0xb8;
	[tilespmem:$0x18200] =	vst v63  }
0x2f: {  	_ = 	snop  }
0x30: {  	[tilespmem:s18], [sflag:$0x3] =	stream.indirect.gather [hbm4b:s6+s26], $0x80, s21, s26, $0xb8;
	[tilespmem:$0x18200] =	vst v63  }
0x31: {  	s0 =	smov.u32 s1;
	s1 =	simm.s32 $0x6200  }
0x32: {  	[tilespmem:s1], [sflag:$0x4] =	stream.indirect.gather [hbm4b:s5+s26], $0x80, s17, s26, $0xb8;
	[tilespmem:$0x18200] =	vst v63  }
0x33: {  	s20 =	simm.s32 $0x12200  }
0x34: {  	[tilespmem:s20], [sflag:$0x4] =	stream.indirect.gather [hbm4b:s6+s26], $0x80, s17, s26, $0xb8;
	[tilespmem:$0x18200] =	vst v63  }
0x35: {  	s18 =	simm.s32 $0x8200  }
0x36: {  	[tilespmem:s18], [sflag:$0x5] =	stream.indirect.gather [hbm4b:s5+s26], $0x80, s25, s26, $0xb8;
	[tilespmem:$0x18200] =	vst v63  }
0x37: {  	s24 =	simm.s32 $0x14200  }
0x38: {  	[tilespmem:s24], [sflag:$0x5] =	stream.indirect.gather [hbm4b:s6+s26], $0x80, s25, s26, $0xb8;
	[tilespmem:$0x18200] =	vst v63  }
0x39: {  	s17 =	simm.s32 $0xA200  }
0x3a: {  	[tilespmem:s17], [sflag:$0x6] =	stream.indirect.gather [hbm4b:s5+s26], $0x80, s19, s26, $0xb8;
	[tilespmem:$0x18200] =	vst v63  }
0x3b: {  	s25 =	simm.s32 $0x16200  }
0x3c: {  	[tilespmem:s25], [sflag:$0x6] =	stream.indirect.gather [hbm4b:s6+s26], $0x80, s19, s26, $0xb8;
	[tilespmem:$0x18200] =	vst v63  }
0x3d: {  	_ =	swait.ge [sflag:s16], $0x2000  }
0x3e: {  	[sflag:s16] =	ssyncset.done $0x0  }
0x3f: {  	[sflag:s16] =	ssyncadd.s32 $0xFFFFE000  }
0x40: {  	_ =	swait.ge [sflag:s16], $0x2000  }
0x41: {  	[sflag:s16] =	ssyncset.done $0x0  }
0x42: {  	s11 =	simm.s32 $0x200;
	s21 =	rddreg [dreg:$0x7];
	[sflag:s16] =	ssyncadd.s32 $0xFFFFE000  }
0x43: {  	[hbm4b:s21+s2] =	stream.linear.scatter [tilespmem:s11], [sflag:$0x7], $0x2000, $0x38;
	[tilespmem:$0x18200] =	vst v63  }
0x44: {  	s7 =	simm.s32 $0xC200;
	s19 =	rddreg [dreg:$0x8]  }
0x45: {  	[hbm4b:s19+s2] =	stream.linear.scatter [tilespmem:s7], [sflag:$0x7], $0x2000, $0x38;
	[tilespmem:$0x18200] =	vst v63  }
0x46: {  	_ =	swait.ge [sflag:s3], $0x2000  }
0x47: {  	[sflag:s3] =	ssyncset.done $0x0  }
0x48: {  	[sflag:s3] =	ssyncadd.s32 $0xFFFFE000  }
0x49: {  	_ =	swait.ge [sflag:s3], $0x2000  }
0x4a: {  	[sflag:s3] =	ssyncset.done $0x0  }
0x4b: {  	s21 =	simm.s32 $0x180;
	[sflag:s3] =	ssyncadd.s32 $0xFFFFE000  }
0x4c: {  	[tilespmem:s11], [sflag:$0x1] =	stream.indirect.gather [hbm4b:s5+s26], $0x80, s21, s26, $0xb8;
	[tilespmem:$0x18200] =	vst v63  }
0x4d: {  	_ = 	snop  }
0x4e: {  	[tilespmem:s7], [sflag:$0x1] =	stream.indirect.gather [hbm4b:s6+s26], $0x80, s21, s26, $0xb8;
	[tilespmem:$0x18200] =	vst v63  }
0x4f: {  	_ =	swait.ge [sflag:s15], $0x2000  }
0x50: {  	[sflag:s15] =	ssyncset.done $0x0  }
0x51: {  	[sflag:s15] =	ssyncadd.s32 $0xFFFFE000  }
0x52: {  	_ =	swait.ge [sflag:s15], $0x2000  }
0x53: {  	[sflag:s15] =	ssyncset.done $0x0  }
0x54: {  	s8 =	simm.s32 $0x2200;
	s22 =	rddreg [dreg:$0x9];
	[sflag:s15] =	ssyncadd.s32 $0xFFFFE000  }
0x55: {  	[hbm4b:s22+s2] =	stream.linear.scatter [tilespmem:s8], [sflag:$0x8], $0x2000, $0x38;
	[tilespmem:$0x18200] =	vst v63  }
0x56: {  	s10 =	simm.s32 $0xE200;
	s19 =	rddreg [dreg:$0xa]  }
0x57: {  	[hbm4b:s19+s2] =	stream.linear.scatter [tilespmem:s10], [sflag:$0x8], $0x2000, $0x38;
	[tilespmem:$0x18200] =	vst v63  }
0x58: {  	_ =	swait.ge [sflag:s4], $0x2000  }
0x59: {  	[sflag:s4] =	ssyncset.done $0x0  }
0x5a: {  	[sflag:s4] =	ssyncadd.s32 $0xFFFFE000  }
0x5b: {  	_ =	swait.ge [sflag:s4], $0x2000  }
0x5c: {  	[sflag:s4] =	ssyncset.done $0x0  }
0x5d: {  	s21 =	simm.s32 $0x1C0;
	[sflag:s4] =	ssyncadd.s32 $0xFFFFE000  }
0x5e: {  	[tilespmem:s8], [sflag:$0x2] =	stream.indirect.gather [hbm4b:s5+s26], $0x80, s21, s26, $0xb8;
	[tilespmem:$0x18200] =	vst v63  }
0x5f: {  	_ = 	snop  }
0x60: {  	[tilespmem:s10], [sflag:$0x2] =	stream.indirect.gather [hbm4b:s6+s26], $0x80, s21, s26, $0xb8;
	[tilespmem:$0x18200] =	vst v63  }
0x61: {  	_ =	swait.ge [sflag:s30], $0x2000  }
0x62: {  	[sflag:s30] =	ssyncset.done $0x0  }
0x63: {  	[sflag:s30] =	ssyncadd.s32 $0xFFFFE000  }
0x64: {  	_ =	swait.ge [sflag:s30], $0x2000  }
0x65: {  	[sflag:s30] =	ssyncset.done $0x0  }
0x66: {  	s31 =	simm.s32 $0x4200;
	s22 =	rddreg [dreg:$0xb];
	[sflag:s30] =	ssyncadd.s32 $0xFFFFE000  }
0x67: {  	[hbm4b:s22+s2] =	stream.linear.scatter [tilespmem:s31], [sflag:$0x9], $0x2000, $0x38;
	[tilespmem:$0x18200] =	vst v63  }
0x68: {  	s17 =	simm.s32 $0x10200;
	s19 =	rddreg [dreg:$0xc]  }
0x69: {  	[hbm4b:s19+s2] =	stream.linear.scatter [tilespmem:s17], [sflag:$0x9], $0x2000, $0x38;
	[tilespmem:$0x18200] =	vst v63  }
0x6a: {  	_ =	swait.ge [sflag:s29], $0x2000  }
0x6b: {  	[sflag:s29] =	ssyncset.done $0x0  }
0x6c: {  	[sflag:s29] =	ssyncadd.s32 $0xFFFFE000  }
0x6d: {  	_ =	swait.ge [sflag:s29], $0x2000  }
0x6e: {  	[sflag:s29] =	ssyncset.done $0x0  }
0x6f: {  	s22 =	rddreg [dreg:$0xd];
	[sflag:s29] =	ssyncadd.s32 $0xFFFFE000  }
0x70: {  	[hbm4b:s22+s2] =	stream.linear.scatter [tilespmem:s1], [sflag:$0xA], $0x2000, $0x38;
	[tilespmem:$0x18200] =	vst v63  }
0x71: {  	s31 =	rddreg [dreg:$0xe]  }
0x72: {  	[hbm4b:s31+s2] =	stream.linear.scatter [tilespmem:s20], [sflag:$0xA], $0x2000, $0x38;
	[tilespmem:$0x18200] =	vst v63  }
0x73: {  	_ =	swait.ge [sflag:s28], $0x2000  }
0x74: {  	[sflag:s28] =	ssyncset.done $0x0  }
0x75: {  	[sflag:s28] =	ssyncadd.s32 $0xFFFFE000  }
0x76: {  	_ =	swait.ge [sflag:s28], $0x2000  }
0x77: {  	[sflag:s28] =	ssyncset.done $0x0  }
0x78: {  	s1 =	rddreg [dreg:$0xf];
	[sflag:s28] =	ssyncadd.s32 $0xFFFFE000  }
0x79: {  	[hbm4b:s1+s2] =	stream.linear.scatter [tilespmem:s18], [sflag:$0xB], $0x2000, $0x38;
	[tilespmem:$0x18200] =	vst v63  }
0x7a: {  	s17 =	rddreg [dreg:$0x10]  }
0x7b: {  	[hbm4b:s17+s2] =	stream.linear.scatter [tilespmem:s24], [sflag:$0xB], $0x2000, $0x38;
	[tilespmem:$0x18200] =	vst v63  }
0x7c: {  	_ =	swait.ge [sflag:s23], $0x2000  }
0x7d: {  	[sflag:s23] =	ssyncset.done $0x0  }
0x7e: {  	[sflag:s23] =	ssyncadd.s32 $0xFFFFE000  }
0x7f: {  	_ =	swait.ge [sflag:s23], $0x2000  }
0x80: {  	[sflag:s23] =	ssyncset.done $0x0  }
0x81: {  	s20 =	simm.s32 $0xA200;
	s18 =	rddreg [dreg:$0x11];
	[sflag:s23] =	ssyncadd.s32 $0xFFFFE000  }
0x82: {  	[hbm4b:s18+s2] =	stream.linear.scatter [tilespmem:s20], [sflag:$0xC], $0x2000, $0x38;
	[tilespmem:$0x18200] =	vst v63  }
0x83: {  	s19 =	rddreg [dreg:$0x12]  }
0x84: {  	[hbm4b:s19+s2] =	stream.linear.scatter [tilespmem:s25], [sflag:$0xC], $0x2000, $0x38;
	[tilespmem:$0x18200] =	vst v63  }
0x85: {  	_ =	swait.ge [sflag:s16], $0x2000  }
0x86: {  	[sflag:s16] =	ssyncset.done $0x0  }
0x87: {  	[sflag:s16] =	ssyncadd.s32 $0xFFFFE000  }
0x88: {  	_ =	swait.ge [sflag:s16], $0x2000  }
0x89: {  	[sflag:s16] =	ssyncset.done $0x0  }
0x8a: {  	s22 =	rddreg [dreg:$0x13];
	[sflag:s16] =	ssyncadd.s32 $0xFFFFE000  }
0x8b: {  	[hbm4b:s22+s2] =	stream.linear.scatter [tilespmem:s11], [sflag:$0x7], $0x2000, $0x38;
	[tilespmem:$0x18200] =	vst v63  }
0x8c: {  	s24 =	rddreg [dreg:$0x14]  }
0x8d: {  	[hbm4b:s24+s2] =	stream.linear.scatter [tilespmem:s7], [sflag:$0x7], $0x2000, $0x38;
	[tilespmem:$0x18200] =	vst v63  }
0x8e: {  	_ =	swait.ge [sflag:s15], $0x2000  }
0x8f: {  	[sflag:s15] =	ssyncset.done $0x0  }
0x90: {  	[sflag:s15] =	ssyncadd.s32 $0xFFFFE000  }
0x91: {  	_ =	swait.ge [sflag:s15], $0x2000  }
0x92: {  	[sflag:s15] =	ssyncset.done $0x0  }
0x93: {  	s25 =	rddreg [dreg:$0x15];
	[sflag:s15] =	ssyncadd.s32 $0xFFFFE000  }
0x94: {  	[hbm4b:s25+s2] =	stream.linear.scatter [tilespmem:s8], [sflag:$0x8], $0x2000, $0x38;
	[tilespmem:$0x18200] =	vst v63  }
0x95: {  	s31 =	rddreg [dreg:$0x16]  }
0x96: {  	[hbm4b:s31+s2] =	stream.linear.scatter [tilespmem:s10], [sflag:$0x8], $0x2000, $0x38;
	[tilespmem:$0x18200] =	vst v63  }
0x97: {  	_ =	swait.ge [sflag:s14], $0x2000  }
0x98: {  	[sflag:s14] =	ssyncset.done $0x0  }
0x99: {  	[sflag:s14] =	ssyncadd.s32 $0xFFFFE000  }
0x9a: {  	_ =	swait.ge [sflag:s14], $0x2000  }
0x9b: {  	[sflag:s14] =	ssyncset.done $0x0  }
0x9c: {  	[sflag:s14] =	ssyncadd.s32 $0xFFFFE000  }
0x9d: {  	_ =	swait.ge [sflag:s13], $0x2000  }
0x9e: {  	[sflag:s13] =	ssyncset.done $0x0  }
0x9f: {  	[sflag:s13] =	ssyncadd.s32 $0xFFFFE000  }
0xa0: {  	_ =	swait.ge [sflag:s13], $0x2000  }
0xa1: {  	[sflag:s13] =	ssyncset.done $0x0  }
0xa2: {  	[sflag:s13] =	ssyncadd.s32 $0xFFFFE000  }
0xa3: {  	_ =	swait.ge [sflag:s12], $0x2000  }
0xa4: {  	[sflag:s12] =	ssyncset.done $0x0  }
0xa5: {  	[sflag:s12] =	ssyncadd.s32 $0xFFFFE000  }
0xa6: {  	_ =	swait.ge [sflag:s12], $0x2000  }
0xa7: {  	[sflag:s12] =	ssyncset.done $0x0  }
0xa8: {  	[sflag:s12] =	ssyncadd.s32 $0xFFFFE000  }
0xa9: {  	_ =	swait.ge [sflag:s9], $0x2000  }
0xaa: {  	[sflag:s9] =	ssyncset.done $0x0  }
0xab: {  	[sflag:s9] =	ssyncadd.s32 $0xFFFFE000  }
0xac: {  	_ =	swait.ge [sflag:s9], $0x2000  }
0xad: {  	[sflag:s9] =	ssyncset.done $0x0  }
0xae: {  	[sflag:s9] =	ssyncadd.s32 $0xFFFFE000  }
0xaf: {  	_ =	swait.ge [sflag:s3], $0x2000  }
0xb0: {  	[sflag:s3] =	ssyncset.done $0x0  }
0xb1: {  	[sflag:s3] =	ssyncadd.s32 $0xFFFFE000  }
0xb2: {  	_ =	swait.ge [sflag:s3], $0x2000  }
0xb3: {  	[sflag:s3] =	ssyncset.done $0x0  }
0xb4: {  	p1 =	sne.s32 s0, $0x1;
	[sflag:s3] =	ssyncadd.s32 $0xFFFFE000  }
.Ltmp1:
0xb5: {  	_ =	swait.ge [sflag:s4], $0x2000;
	(pc) =	sbr.rel @!p1 .LBB2_6-.Ltmp1, $4  }
0xb6: {  	[sflag:s4] =	ssyncset.done $0x0  }
0xb7: {  	[sflag:s4] =	ssyncadd.s32 $0xFFFFE000  }
0xb8: {  	p0 =	por $0x1, $0x1;
	_ =	swait.ge [sflag:s4], $0x2000  }
0xb9: {  	s21 =	sadd.s32 $0xFFFFFFFF, s0;
	s22 =	rddreg [dreg:$0x6];
	[sflag:s4] =	ssyncset.done $0x0  }
0xba: {  	s31 =	simm.s32 $0x4200;
	s20 =	simm.s32 $0x12200  }
0xbb: {  	s18 =	simm.s32 $0x8200;
	s25 =	simm.s32 $0x14200;
	s19 =	simm.s32 $0x16200  }
.LBB2_3:
0xbc: {  	[sflag:s4] =	ssyncadd.s32 $0xFFFFE000;
	s0 =	simm.s32 $0xD  }
0xbd: {  	[tilespmem:s2], [sflag:$0xD] =	stream.linear.gather [hbm4b:s22+s2], $0x200, $0x38;
	[tilespmem:$0x18200] =	vst v63  }
0xbe: {  	_ =	swait.ge [sflag:s0], $0x200  }
0xbf: {  	[sflag:s0] =	ssyncset.done $0x0  }
0xc0: {  	[sflag:s0] =	ssyncadd.s32 $0xFFFFFE00  }
0xc1: {  	[tilespmem:s11], [sflag:$0x1] =	stream.indirect.gather [hbm4b:s5+s26], $0x80, s2, s26, $0xb8;
	[tilespmem:$0x18200] =	vst v63  }
0xc2: {  	_ = 	snop  }
0xc3: {  	[tilespmem:s7], [sflag:$0x1] =	stream.indirect.gather [hbm4b:s6+s26], $0x80, s2, s26, $0xb8;
	[tilespmem:$0x18200] =	vst v63  }
0xc4: {  	_ = 	snop  }
0xc5: {  	[tilespmem:s8], [sflag:$0x2] =	stream.indirect.gather [hbm4b:s5+s26], $0x80, s26, s26, $0xb8;
	[tilespmem:$0x18200] =	vst v63  }
0xc6: {  	_ = 	snop  }
0xc7: {  	[tilespmem:s10], [sflag:$0x2] =	stream.indirect.gather [hbm4b:s6+s26], $0x80, s26, s26, $0xb8;
	[tilespmem:$0x18200] =	vst v63  }
0xc8: {  	s1 =	simm.s32 $0x80  }
0xc9: {  	[tilespmem:s31], [sflag:$0x3] =	stream.indirect.gather [hbm4b:s5+s26], $0x80, s1, s26, $0xb8;
	[tilespmem:$0x18200] =	vst v63  }
0xca: {  	s0 =	simm.s32 $0x10200  }
0xcb: {  	[tilespmem:s0], [sflag:$0x3] =	stream.indirect.gather [hbm4b:s6+s26], $0x80, s1, s26, $0xb8;
	[tilespmem:$0x18200] =	vst v63  }
0xcc: {  	s17 =	simm.s32 $0xC0;
	s1 =	simm.s32 $0x6200  }
0xcd: {  	[tilespmem:s1], [sflag:$0x4] =	stream.indirect.gather [hbm4b:s5+s26], $0x80, s17, s26, $0xb8;
	[tilespmem:$0x18200] =	vst v63  }
0xce: {  	_ = 	snop  }
0xcf: {  	[tilespmem:s20], [sflag:$0x4] =	stream.indirect.gather [hbm4b:s6+s26], $0x80, s17, s26, $0xb8;
	[tilespmem:$0x18200] =	vst v63  }
0xd0: {  	s22 =	simm.s32 $0x100  }
0xd1: {  	[tilespmem:s18], [sflag:$0x5] =	stream.indirect.gather [hbm4b:s5+s26], $0x80, s22, s26, $0xb8;
	[tilespmem:$0x18200] =	vst v63  }
0xd2: {  	_ = 	snop  }
0xd3: {  	[tilespmem:s25], [sflag:$0x5] =	stream.indirect.gather [hbm4b:s6+s26], $0x80, s22, s26, $0xb8;
	[tilespmem:$0x18200] =	vst v63  }
0xd4: {  	s24 =	simm.s32 $0x140;
	s17 =	simm.s32 $0xA200  }
0xd5: {  	[tilespmem:s17], [sflag:$0x6] =	stream.indirect.gather [hbm4b:s5+s26], $0x80, s24, s26, $0xb8;
	[tilespmem:$0x18200] =	vst v63  }
0xd6: {  	_ = 	snop  }
0xd7: {  	[tilespmem:s19], [sflag:$0x6] =	stream.indirect.gather [hbm4b:s6+s26], $0x80, s24, s26, $0xb8;
	[tilespmem:$0x18200] =	vst v63  }
0xd8: {  	_ =	swait.ge [sflag:s16], $0x2000  }
0xd9: {  	[sflag:s16] =	ssyncset.done $0x0  }
0xda: {  	[sflag:s16] =	ssyncadd.s32 $0xFFFFE000  }
0xdb: {  	_ =	swait.ge [sflag:s16], $0x2000  }
0xdc: {  	[sflag:s16] =	ssyncset.done $0x0  }
0xdd: {  	s22 =	rddreg [dreg:$0x7];
	[sflag:s16] =	ssyncadd.s32 $0xFFFFE000  }
0xde: {  	[hbm4b:s22+s2] =	stream.linear.scatter [tilespmem:s11], [sflag:$0x7], $0x2000, $0x38;
	[tilespmem:$0x18200] =	vst v63  }
0xdf: {  	s24 =	rddreg [dreg:$0x8]  }
0xe0: {  	[hbm4b:s24+s2] =	stream.linear.scatter [tilespmem:s7], [sflag:$0x7], $0x2000, $0x38;
	[tilespmem:$0x18200] =	vst v63  }
0xe1: {  	_ =	swait.ge [sflag:s3], $0x2000  }
0xe2: {  	[sflag:s3] =	ssyncset.done $0x0  }
0xe3: {  	[sflag:s3] =	ssyncadd.s32 $0xFFFFE000  }
0xe4: {  	_ =	swait.ge [sflag:s3], $0x2000  }
0xe5: {  	[sflag:s3] =	ssyncset.done $0x0  }
0xe6: {  	s24 =	simm.s32 $0x180;
	[sflag:s3] =	ssyncadd.s32 $0xFFFFE000  }
0xe7: {  	[tilespmem:s11], [sflag:$0x1] =	stream.indirect.gather [hbm4b:s5+s26], $0x80, s24, s26, $0xb8;
	[tilespmem:$0x18200] =	vst v63  }
0xe8: {  	_ = 	snop  }
0xe9: {  	[tilespmem:s7], [sflag:$0x1] =	stream.indirect.gather [hbm4b:s6+s26], $0x80, s24, s26, $0xb8;
	[tilespmem:$0x18200] =	vst v63  }
0xea: {  	_ =	swait.ge [sflag:s15], $0x2000  }
0xeb: {  	[sflag:s15] =	ssyncset.done $0x0  }
0xec: {  	[sflag:s15] =	ssyncadd.s32 $0xFFFFE000  }
0xed: {  	_ =	swait.ge [sflag:s15], $0x2000  }
0xee: {  	[sflag:s15] =	ssyncset.done $0x0  }
0xef: {  	s22 =	rddreg [dreg:$0x9];
	[sflag:s15] =	ssyncadd.s32 $0xFFFFE000  }
0xf0: {  	[hbm4b:s22+s2] =	stream.linear.scatter [tilespmem:s8], [sflag:$0x8], $0x2000, $0x38;
	[tilespmem:$0x18200] =	vst v63  }
0xf1: {  	s24 =	rddreg [dreg:$0xa]  }
0xf2: {  	[hbm4b:s24+s2] =	stream.linear.scatter [tilespmem:s10], [sflag:$0x8], $0x2000, $0x38;
	[tilespmem:$0x18200] =	vst v63  }
0xf3: {  	_ =	swait.ge [sflag:s4], $0x2000  }
0xf4: {  	[sflag:s4] =	ssyncset.done $0x0  }
0xf5: {  	[sflag:s4] =	ssyncadd.s32 $0xFFFFE000  }
0xf6: {  	_ =	swait.ge [sflag:s4], $0x2000  }
0xf7: {  	[sflag:s4] =	ssyncset.done $0x0  }
0xf8: {  	s24 =	simm.s32 $0x1C0;
	[sflag:s4] =	ssyncadd.s32 $0xFFFFE000  }
0xf9: {  	[tilespmem:s8], [sflag:$0x2] =	stream.indirect.gather [hbm4b:s5+s26], $0x80, s24, s26, $0xb8;
	[tilespmem:$0x18200] =	vst v63  }
0xfa: {  	_ = 	snop  }
0xfb: {  	[tilespmem:s10], [sflag:$0x2] =	stream.indirect.gather [hbm4b:s6+s26], $0x80, s24, s26, $0xb8;
	[tilespmem:$0x18200] =	vst v63  }
0xfc: {  	_ =	swait.ge [sflag:s30], $0x2000  }
0xfd: {  	[sflag:s30] =	ssyncset.done $0x0  }
0xfe: {  	[sflag:s30] =	ssyncadd.s32 $0xFFFFE000  }
0xff: {  	_ =	swait.ge [sflag:s30], $0x2000  }
0x100: {  	[sflag:s30] =	ssyncset.done $0x0  }
0x101: {  	s22 =	rddreg [dreg:$0xb];
	[sflag:s30] =	ssyncadd.s32 $0xFFFFE000  }
0x102: {  	[hbm4b:s22+s2] =	stream.linear.scatter [tilespmem:s31], [sflag:$0x9], $0x2000, $0x38;
	[tilespmem:$0x18200] =	vst v63  }
0x103: {  	s24 =	rddreg [dreg:$0xc]  }
0x104: {  	[hbm4b:s24+s2] =	stream.linear.scatter [tilespmem:s0], [sflag:$0x9], $0x2000, $0x38;
	[tilespmem:$0x18200] =	vst v63  }
0x105: {  	_ =	swait.ge [sflag:s29], $0x2000  }
0x106: {  	[sflag:s29] =	ssyncset.done $0x0  }
0x107: {  	[sflag:s29] =	ssyncadd.s32 $0xFFFFE000  }
0x108: {  	_ =	swait.ge [sflag:s29], $0x2000  }
0x109: {  	[sflag:s29] =	ssyncset.done $0x0  }
0x10a: {  	s24 =	rddreg [dreg:$0xd];
	[sflag:s29] =	ssyncadd.s32 $0xFFFFE000  }
0x10b: {  	[hbm4b:s24+s2] =	stream.linear.scatter [tilespmem:s1], [sflag:$0xA], $0x2000, $0x38;
	[tilespmem:$0x18200] =	vst v63  }
0x10c: {  	s0 =	rddreg [dreg:$0xe]  }
0x10d: {  	[hbm4b:s0+s2] =	stream.linear.scatter [tilespmem:s20], [sflag:$0xA], $0x2000, $0x38;
	[tilespmem:$0x18200] =	vst v63  }
0x10e: {  	_ =	swait.ge [sflag:s28], $0x2000  }
0x10f: {  	[sflag:s28] =	ssyncset.done $0x0  }
0x110: {  	[sflag:s28] =	ssyncadd.s32 $0xFFFFE000  }
0x111: {  	_ =	swait.ge [sflag:s28], $0x2000  }
0x112: {  	[sflag:s28] =	ssyncset.done $0x0  }
0x113: {  	s0 =	rddreg [dreg:$0xf];
	[sflag:s28] =	ssyncadd.s32 $0xFFFFE000  }
0x114: {  	[hbm4b:s0+s2] =	stream.linear.scatter [tilespmem:s18], [sflag:$0xB], $0x2000, $0x38;
	[tilespmem:$0x18200] =	vst v63  }
0x115: {  	s1 =	rddreg [dreg:$0x10]  }
0x116: {  	[hbm4b:s1+s2] =	stream.linear.scatter [tilespmem:s25], [sflag:$0xB], $0x2000, $0x38;
	[tilespmem:$0x18200] =	vst v63  }
0x117: {  	_ =	swait.ge [sflag:s23], $0x2000  }
0x118: {  	[sflag:s23] =	ssyncset.done $0x0  }
0x119: {  	[sflag:s23] =	ssyncadd.s32 $0xFFFFE000  }
0x11a: {  	_ =	swait.ge [sflag:s23], $0x2000  }
0x11b: {  	[sflag:s23] =	ssyncset.done $0x0  }
0x11c: {  	s0 =	rddreg [dreg:$0x11];
	[sflag:s23] =	ssyncadd.s32 $0xFFFFE000  }
0x11d: {  	[hbm4b:s0+s2] =	stream.linear.scatter [tilespmem:s17], [sflag:$0xC], $0x2000, $0x38;
	[tilespmem:$0x18200] =	vst v63  }
0x11e: {  	s1 =	rddreg [dreg:$0x12]  }
0x11f: {  	[hbm4b:s1+s2] =	stream.linear.scatter [tilespmem:s19], [sflag:$0xC], $0x2000, $0x38;
	[tilespmem:$0x18200] =	vst v63  }
0x120: {  	_ =	swait.ge [sflag:s16], $0x2000  }
0x121: {  	[sflag:s16] =	ssyncset.done $0x0  }
0x122: {  	[sflag:s16] =	ssyncadd.s32 $0xFFFFE000  }
0x123: {  	_ =	swait.ge [sflag:s16], $0x2000  }
0x124: {  	[sflag:s16] =	ssyncset.done $0x0  }
0x125: {  	s24 =	rddreg [dreg:$0x13];
	[sflag:s16] =	ssyncadd.s32 $0xFFFFE000  }
0x126: {  	[hbm4b:s24+s2] =	stream.linear.scatter [tilespmem:s11], [sflag:$0x7], $0x2000, $0x38;
	[tilespmem:$0x18200] =	vst v63  }
0x127: {  	s0 =	rddreg [dreg:$0x14]  }
0x128: {  	[hbm4b:s0+s2] =	stream.linear.scatter [tilespmem:s7], [sflag:$0x7], $0x2000, $0x38;
	[tilespmem:$0x18200] =	vst v63  }
0x129: {  	_ =	swait.ge [sflag:s15], $0x2000  }
0x12a: {  	[sflag:s15] =	ssyncset.done $0x0  }
0x12b: {  	[sflag:s15] =	ssyncadd.s32 $0xFFFFE000  }
0x12c: {  	_ =	swait.ge [sflag:s15], $0x2000  }
0x12d: {  	[sflag:s15] =	ssyncset.done $0x0  }
0x12e: {  	s1 =	rddreg [dreg:$0x15];
	[sflag:s15] =	ssyncadd.s32 $0xFFFFE000  }
0x12f: {  	[hbm4b:s1+s2] =	stream.linear.scatter [tilespmem:s8], [sflag:$0x8], $0x2000, $0x38;
	[tilespmem:$0x18200] =	vst v63  }
0x130: {  	s17 =	rddreg [dreg:$0x16]  }
0x131: {  	[hbm4b:s17+s2] =	stream.linear.scatter [tilespmem:s10], [sflag:$0x8], $0x2000, $0x38;
	[tilespmem:$0x18200] =	vst v63  }
0x132: {  	_ =	swait.ge [sflag:s14], $0x2000  }
0x133: {  	[sflag:s14] =	ssyncset.done $0x0  }
0x134: {  	[sflag:s14] =	ssyncadd.s32 $0xFFFFE000  }
0x135: {  	_ =	swait.ge [sflag:s14], $0x2000  }
0x136: {  	[sflag:s14] =	ssyncset.done $0x0  }
0x137: {  	[sflag:s14] =	ssyncadd.s32 $0xFFFFE000  }
0x138: {  	_ =	swait.ge [sflag:s13], $0x2000  }
0x139: {  	[sflag:s13] =	ssyncset.done $0x0  }
0x13a: {  	[sflag:s13] =	ssyncadd.s32 $0xFFFFE000  }
0x13b: {  	_ =	swait.ge [sflag:s13], $0x2000  }
0x13c: {  	[sflag:s13] =	ssyncset.done $0x0  }
0x13d: {  	[sflag:s13] =	ssyncadd.s32 $0xFFFFE000  }
0x13e: {  	_ =	swait.ge [sflag:s12], $0x2000  }
0x13f: {  	[sflag:s12] =	ssyncset.done $0x0  }
0x140: {  	[sflag:s12] =	ssyncadd.s32 $0xFFFFE000  }
0x141: {  	_ =	swait.ge [sflag:s12], $0x2000  }
0x142: {  	[sflag:s12] =	ssyncset.done $0x0  }
0x143: {  	[sflag:s12] =	ssyncadd.s32 $0xFFFFE000  }
0x144: {  	_ =	swait.ge [sflag:s9], $0x2000  }
0x145: {  	[sflag:s9] =	ssyncset.done $0x0  }
0x146: {  	[sflag:s9] =	ssyncadd.s32 $0xFFFFE000  }
0x147: {  	_ =	swait.ge [sflag:s9], $0x2000  }
0x148: {  	[sflag:s9] =	ssyncset.done $0x0  }
0x149: {  	[sflag:s9] =	ssyncadd.s32 $0xFFFFE000  }
0x14a: {  	_ =	swait.ge [sflag:s3], $0x2000  }
0x14b: {  	[sflag:s3] =	ssyncset.done $0x0  }
0x14c: {  	[sflag:s3] =	ssyncadd.s32 $0xFFFFE000  }
0x14d: {  	_ =	swait.ge [sflag:s3], $0x2000  }
0x14e: {  	[sflag:s3] =	ssyncset.done $0x0  }
0x14f: {  	p1 =	sne.s32 s21, $0x1;
	[sflag:s3] =	ssyncadd.s32 $0xFFFFE000  }
.Ltmp2:
0x150: {  	_ =	swait.ge [sflag:s4], $0x2000;
	(pc) =	sbr.rel @p1 .LBB2_3-.Ltmp2, $4  }
0x151: {  	[sflag:s4] =	ssyncset.done $0x0  }
0x152: {  	[sflag:s4] =	ssyncadd.s32 $0xFFFFE000  }
0x153: {  	_ =	swait.ge [sflag:s4], $0x2000  }
0x154: {  	s21 =	sadd.s32 $0xFFFFFFFF, s21;
	s22 =	rddreg [dreg:$0x6];
	[sflag:s4] =	ssyncset.done $0x0  }
0x155: {  	s24 =	rddreg [dreg:$0x5];
	s20 =	simm.s32 $0x4200  }
0x156: {  	s18 =	simm.s32 $0x10200;
	s21 =	simm.s32 $0x80;
	s17 =	simm.s32 $0xC0  }
0x157: {  	s25 =	simm.s32 $0x100;
	s0 =	simm.s32 $0xD;
	s7 =	simm.s32 $0x2200  }
0x158: {  	s8 =	simm.s32 $0xE200;
	s10 =	simm.s32 $0x200;
	s11 =	simm.s32 $0xC200  }
.LBB2_5:
0x159: {  	[sflag:s4] =	ssyncadd.s32 @p0 $0xFFFFE000  }
0x15a: {  	[tilespmem:s2], [sflag:$0xD] =	stream.linear.gather [hbm4b:s22+s2], $0x200, $0x38;
	[tilespmem:$0x18200] =	vst v63  }
0x15b: {  	_ =	swait.ge [sflag:s0], $0x200  }
0x15c: {  	[sflag:s0] =	ssyncset.done $0x0  }
0x15d: {  	[sflag:s0] =	ssyncadd.s32 $0xFFFFFE00  }
0x15e: {  	[tilespmem:s10], [sflag:$0x1] =	stream.indirect.gather [hbm4b:s5+s26], $0x80, s2, s26, $0xb8;
	[tilespmem:$0x18200] =	vst v63  }
0x15f: {  	_ = 	snop  }
0x160: {  	[tilespmem:s11], [sflag:$0x1] =	stream.indirect.gather [hbm4b:s6+s26], $0x80, s2, s26, $0xb8;
	[tilespmem:$0x18200] =	vst v63  }
0x161: {  	_ = 	snop  }
0x162: {  	[tilespmem:s7], [sflag:$0x2] =	stream.indirect.gather [hbm4b:s5+s26], $0x80, s26, s26, $0xb8;
	[tilespmem:$0x18200] =	vst v63  }
0x163: {  	_ = 	snop  }
0x164: {  	[tilespmem:s8], [sflag:$0x2] =	stream.indirect.gather [hbm4b:s6+s26], $0x80, s26, s26, $0xb8;
	[tilespmem:$0x18200] =	vst v63  }
0x165: {  	_ = 	snop  }
0x166: {  	[tilespmem:s20], [sflag:$0x3] =	stream.indirect.gather [hbm4b:s5+s26], $0x80, s21, s26, $0xb8;
	[tilespmem:$0x18200] =	vst v63  }
0x167: {  	_ = 	snop  }
0x168: {  	[tilespmem:s18], [sflag:$0x3] =	stream.indirect.gather [hbm4b:s6+s26], $0x80, s21, s26, $0xb8;
	[tilespmem:$0x18200] =	vst v63  }
0x169: {  	s31 =	simm.s32 $0x6200  }
0x16a: {  	[tilespmem:s31], [sflag:$0x4] =	stream.indirect.gather [hbm4b:s5+s26], $0x80, s17, s26, $0xb8;
	[tilespmem:$0x18200] =	vst v63  }
0x16b: {  	s21 =	simm.s32 $0x12200  }
0x16c: {  	[tilespmem:s21], [sflag:$0x4] =	stream.indirect.gather [hbm4b:s6+s26], $0x80, s17, s26, $0xb8;
	[tilespmem:$0x18200] =	vst v63  }
0x16d: {  	s22 =	simm.s32 $0x8200  }
0x16e: {  	[tilespmem:s22], [sflag:$0x5] =	stream.indirect.gather [hbm4b:s5+s26], $0x80, s25, s26, $0xb8;
	[tilespmem:$0x18200] =	vst v63  }
0x16f: {  	s19 =	simm.s32 $0x100;
	s25 =	simm.s32 $0x14200  }
0x170: {  	[tilespmem:s25], [sflag:$0x5] =	stream.indirect.gather [hbm4b:s6+s26], $0x80, s19, s26, $0xb8;
	[tilespmem:$0x18200] =	vst v63  }
0x171: {  	s1 =	simm.s32 $0x140;
	s18 =	simm.s32 $0xA200  }
0x172: {  	[tilespmem:s18], [sflag:$0x6] =	stream.indirect.gather [hbm4b:s5+s26], $0x80, s1, s26, $0xb8;
	[tilespmem:$0x18200] =	vst v63  }
0x173: {  	s19 =	simm.s32 $0x16200  }
0x174: {  	[tilespmem:s19], [sflag:$0x6] =	stream.indirect.gather [hbm4b:s6+s26], $0x80, s1, s26, $0xb8;
	[tilespmem:$0x18200] =	vst v63  }
0x175: {  	_ =	swait.ge [sflag:s16], $0x2000  }
0x176: {  	[sflag:s16] =	ssyncset.done $0x0  }
0x177: {  	[sflag:s16] =	ssyncadd.s32 $0xFFFFE000  }
0x178: {  	_ =	swait.ge [sflag:s16], $0x2000  }
0x179: {  	[sflag:s16] =	ssyncset.done $0x0  }
0x17a: {  	s17 =	rddreg [dreg:$0x7];
	[sflag:s16] =	ssyncadd.s32 $0xFFFFE000  }
0x17b: {  	[hbm4b:s17+s2] =	stream.linear.scatter [tilespmem:s10], [sflag:$0x7], $0x2000, $0x38;
	[tilespmem:$0x18200] =	vst v63  }
0x17c: {  	s1 =	rddreg [dreg:$0x8]  }
0x17d: {  	[hbm4b:s1+s2] =	stream.linear.scatter [tilespmem:s11], [sflag:$0x7], $0x2000, $0x38;
	[tilespmem:$0x18200] =	vst v63  }
0x17e: {  	_ =	swait.ge [sflag:s3], $0x2000  }
0x17f: {  	[sflag:s3] =	ssyncset.done $0x0  }
0x180: {  	[sflag:s3] =	ssyncadd.s32 $0xFFFFE000  }
0x181: {  	_ =	swait.ge [sflag:s3], $0x2000  }
0x182: {  	[sflag:s3] =	ssyncset.done $0x0  }
0x183: {  	s1 =	simm.s32 $0x180;
	[sflag:s3] =	ssyncadd.s32 $0xFFFFE000  }
0x184: {  	[tilespmem:s10], [sflag:$0x1] =	stream.indirect.gather [hbm4b:s5+s26], $0x80, s1, s26, $0xb8;
	[tilespmem:$0x18200] =	vst v63  }
0x185: {  	_ = 	snop  }
0x186: {  	[tilespmem:s11], [sflag:$0x1] =	stream.indirect.gather [hbm4b:s6+s26], $0x80, s1, s26, $0xb8;
	[tilespmem:$0x18200] =	vst v63  }
0x187: {  	_ =	swait.ge [sflag:s15], $0x2000  }
0x188: {  	[sflag:s15] =	ssyncset.done $0x0  }
0x189: {  	[sflag:s15] =	ssyncadd.s32 $0xFFFFE000  }
0x18a: {  	_ =	swait.ge [sflag:s15], $0x2000  }
0x18b: {  	[sflag:s15] =	ssyncset.done $0x0  }
0x18c: {  	s17 =	rddreg [dreg:$0x9];
	[sflag:s15] =	ssyncadd.s32 $0xFFFFE000  }
0x18d: {  	[hbm4b:s17+s2] =	stream.linear.scatter [tilespmem:s7], [sflag:$0x8], $0x2000, $0x38;
	[tilespmem:$0x18200] =	vst v63  }
0x18e: {  	s1 =	rddreg [dreg:$0xa]  }
0x18f: {  	[hbm4b:s1+s2] =	stream.linear.scatter [tilespmem:s8], [sflag:$0x8], $0x2000, $0x38;
	[tilespmem:$0x18200] =	vst v63  }
0x190: {  	_ =	swait.ge [sflag:s4], $0x2000  }
0x191: {  	[sflag:s4] =	ssyncset.done $0x0  }
0x192: {  	[sflag:s4] =	ssyncadd.s32 $0xFFFFE000  }
0x193: {  	_ =	swait.ge [sflag:s4], $0x2000  }
0x194: {  	[sflag:s4] =	ssyncset.done $0x0  }
0x195: {  	s17 =	simm.s32 $0x1C0;
	[sflag:s4] =	ssyncadd.s32 $0xFFFFE000  }
0x196: {  	[tilespmem:s7], [sflag:$0x2] =	stream.indirect.gather [hbm4b:s5+s26], $0x80, s17, s26, $0xb8;
	[tilespmem:$0x18200] =	vst v63  }
0x197: {  	_ = 	snop  }
0x198: {  	[tilespmem:s8], [sflag:$0x2] =	stream.indirect.gather [hbm4b:s6+s26], $0x80, s17, s26, $0xb8;
	[tilespmem:$0x18200] =	vst v63  }
0x199: {  	_ =	swait.ge [sflag:s30], $0x2000  }
0x19a: {  	[sflag:s30] =	ssyncset.done $0x0  }
0x19b: {  	[sflag:s30] =	ssyncadd.s32 $0xFFFFE000  }
0x19c: {  	_ =	swait.ge [sflag:s30], $0x2000  }
0x19d: {  	[sflag:s30] =	ssyncset.done $0x0  }
0x19e: {  	s20 =	simm.s32 $0x4200;
	s26 =	rddreg [dreg:$0xb];
	[sflag:s30] =	ssyncadd.s32 $0xFFFFE000  }
0x19f: {  	[hbm4b:s26+s2] =	stream.linear.scatter [tilespmem:s20], [sflag:$0x9], $0x2000, $0x38;
	[tilespmem:$0x18200] =	vst v63  }
0x1a0: {  	s5 =	simm.s32 $0x10200;
	s30 =	rddreg [dreg:$0xc]  }
0x1a1: {  	[hbm4b:s30+s2] =	stream.linear.scatter [tilespmem:s5], [sflag:$0x9], $0x2000, $0x38;
	[tilespmem:$0x18200] =	vst v63  }
0x1a2: {  	_ =	swait.ge [sflag:s29], $0x2000  }
0x1a3: {  	[sflag:s29] =	ssyncset.done $0x0  }
0x1a4: {  	[sflag:s29] =	ssyncadd.s32 $0xFFFFE000  }
0x1a5: {  	_ =	swait.ge [sflag:s29], $0x2000  }
0x1a6: {  	[sflag:s29] =	ssyncset.done $0x0  }
0x1a7: {  	s6 =	rddreg [dreg:$0xd];
	[sflag:s29] =	ssyncadd.s32 $0xFFFFE000  }
0x1a8: {  	[hbm4b:s6+s2] =	stream.linear.scatter [tilespmem:s31], [sflag:$0xA], $0x2000, $0x38;
	[tilespmem:$0x18200] =	vst v63  }
0x1a9: {  	s17 =	rddreg [dreg:$0xe]  }
0x1aa: {  	[hbm4b:s17+s2] =	stream.linear.scatter [tilespmem:s21], [sflag:$0xA], $0x2000, $0x38;
	[tilespmem:$0x18200] =	vst v63  }
0x1ab: {  	_ =	swait.ge [sflag:s28], $0x2000  }
0x1ac: {  	[sflag:s28] =	ssyncset.done $0x0  }
0x1ad: {  	[sflag:s28] =	ssyncadd.s32 $0xFFFFE000  }
0x1ae: {  	_ =	swait.ge [sflag:s28], $0x2000  }
0x1af: {  	[sflag:s28] =	ssyncset.done $0x0  }
0x1b0: {  	s20 =	rddreg [dreg:$0xf];
	[sflag:s28] =	ssyncadd.s32 $0xFFFFE000  }
0x1b1: {  	[hbm4b:s20+s2] =	stream.linear.scatter [tilespmem:s22], [sflag:$0xB], $0x2000, $0x38;
	[tilespmem:$0x18200] =	vst v63  }
0x1b2: {  	s21 =	rddreg [dreg:$0x10]  }
0x1b3: {  	[hbm4b:s21+s2] =	stream.linear.scatter [tilespmem:s25], [sflag:$0xB], $0x2000, $0x38;
	[tilespmem:$0x18200] =	vst v63  }
0x1b4: {  	_ =	swait.ge [sflag:s23], $0x2000  }
0x1b5: {  	[sflag:s23] =	ssyncset.done $0x0  }
0x1b6: {  	[sflag:s23] =	ssyncadd.s32 $0xFFFFE000  }
0x1b7: {  	_ =	swait.ge [sflag:s23], $0x2000  }
0x1b8: {  	[sflag:s23] =	ssyncset.done $0x0  }
0x1b9: {  	s22 =	rddreg [dreg:$0x11];
	[sflag:s23] =	ssyncadd.s32 $0xFFFFE000  }
0x1ba: {  	[hbm4b:s22+s2] =	stream.linear.scatter [tilespmem:s18], [sflag:$0xC], $0x2000, $0x38;
	[tilespmem:$0x18200] =	vst v63  }
0x1bb: {  	s25 =	rddreg [dreg:$0x12]  }
0x1bc: {  	[hbm4b:s25+s2] =	stream.linear.scatter [tilespmem:s19], [sflag:$0xC], $0x2000, $0x38;
	[tilespmem:$0x18200] =	vst v63  }
0x1bd: {  	_ =	swait.ge [sflag:s16], $0x2000  }
0x1be: {  	[sflag:s16] =	ssyncset.done $0x0  }
0x1bf: {  	[sflag:s16] =	ssyncadd.s32 $0xFFFFE000  }
0x1c0: {  	_ =	swait.ge [sflag:s16], $0x2000  }
0x1c1: {  	[sflag:s16] =	ssyncset.done $0x0  }
0x1c2: {  	s26 =	rddreg [dreg:$0x13];
	[sflag:s16] =	ssyncadd.s32 $0xFFFFE000  }
0x1c3: {  	[hbm4b:s26+s2] =	stream.linear.scatter [tilespmem:s10], [sflag:$0x7], $0x2000, $0x38;
	[tilespmem:$0x18200] =	vst v63  }
0x1c4: {  	s28 =	rddreg [dreg:$0x14]  }
0x1c5: {  	[hbm4b:s28+s2] =	stream.linear.scatter [tilespmem:s11], [sflag:$0x7], $0x2000, $0x38;
	[tilespmem:$0x18200] =	vst v63  }
0x1c6: {  	_ =	swait.ge [sflag:s15], $0x2000  }
0x1c7: {  	[sflag:s15] =	ssyncset.done $0x0  }
0x1c8: {  	[sflag:s15] =	ssyncadd.s32 $0xFFFFE000  }
0x1c9: {  	_ =	swait.ge [sflag:s15], $0x2000  }
0x1ca: {  	[sflag:s15] =	ssyncset.done $0x0  }
0x1cb: {  	s29 =	rddreg [dreg:$0x15];
	[sflag:s15] =	ssyncadd.s32 $0xFFFFE000  }
0x1cc: {  	[hbm4b:s29+s2] =	stream.linear.scatter [tilespmem:s7], [sflag:$0x8], $0x2000, $0x38;
	[tilespmem:$0x18200] =	vst v63  }
0x1cd: {  	s30 =	rddreg [dreg:$0x16]  }
0x1ce: {  	[hbm4b:s30+s2] =	stream.linear.scatter [tilespmem:s8], [sflag:$0x8], $0x2000, $0x38;
	[tilespmem:$0x18200] =	vst v63  }
0x1cf: {  	_ =	swait.ge [sflag:s14], $0x2000  }
0x1d0: {  	[sflag:s14] =	ssyncset.done $0x0  }
0x1d1: {  	[sflag:s14] =	ssyncadd.s32 $0xFFFFE000  }
0x1d2: {  	_ =	swait.ge [sflag:s14], $0x2000  }
0x1d3: {  	[sflag:s14] =	ssyncset.done $0x0  }
0x1d4: {  	[sflag:s14] =	ssyncadd.s32 $0xFFFFE000  }
0x1d5: {  	_ =	swait.ge [sflag:s13], $0x2000  }
0x1d6: {  	[sflag:s13] =	ssyncset.done $0x0  }
0x1d7: {  	[sflag:s13] =	ssyncadd.s32 $0xFFFFE000  }
0x1d8: {  	_ =	swait.ge [sflag:s13], $0x2000  }
0x1d9: {  	[sflag:s13] =	ssyncset.done $0x0  }
0x1da: {  	[sflag:s13] =	ssyncadd.s32 $0xFFFFE000  }
0x1db: {  	_ =	swait.ge [sflag:s12], $0x2000  }
0x1dc: {  	[sflag:s12] =	ssyncset.done $0x0  }
0x1dd: {  	[sflag:s12] =	ssyncadd.s32 $0xFFFFE000  }
0x1de: {  	_ =	swait.ge [sflag:s12], $0x2000  }
0x1df: {  	[sflag:s12] =	ssyncset.done $0x0  }
0x1e0: {  	[sflag:s12] =	ssyncadd.s32 $0xFFFFE000  }
0x1e1: {  	_ =	swait.ge [sflag:s9], $0x2000  }
0x1e2: {  	[sflag:s9] =	ssyncset.done $0x0  }
0x1e3: {  	[sflag:s9] =	ssyncadd.s32 $0xFFFFE000  }
0x1e4: {  	_ =	swait.ge [sflag:s9], $0x2000  }
0x1e5: {  	[sflag:s9] =	ssyncset.done $0x0  }
0x1e6: {  	[sflag:s9] =	ssyncadd.s32 $0xFFFFE000  }
0x1e7: {  	_ =	swait.ge [sflag:s3], $0x2000  }
0x1e8: {  	[sflag:s3] =	ssyncset.done $0x0  }
0x1e9: {  	[sflag:s3] =	ssyncadd.s32 $0xFFFFE000  }
0x1ea: {  	_ =	swait.ge [sflag:s3], $0x2000  }
0x1eb: {  	[sflag:s3] =	ssyncset.done $0x0  }
0x1ec: {  	[sflag:s3] =	ssyncadd.s32 $0xFFFFE000  }
0x1ed: {  	_ =	swait.ge [sflag:s4], $0x2000  }
0x1ee: {  	[sflag:s4] =	ssyncset.done $0x0  }
0x1ef: {  	[sflag:s4] =	ssyncadd.s32 $0xFFFFE000  }
0x1f0: {  	_ =	swait.ge [sflag:s4], $0x2000  }
0x1f1: {  	[sflag:s4] =	ssyncset.done $0x0  }
0x1f2: {  	[sflag:s4] =	ssyncadd.s32 $0xFFFFE000  }
0x1f3: {  	_ =	sfence.sel $0x180000  }
0x1f4: {  	s31 =	stileid.u32;
	[bflag:$0x0] =	sbarrier.arrive $0xFFFF  }
0x1f5: {  	p0 =	sne.s32 s31, $0x0;
	_ =	strace $0x90000047  }
0x1f6: {  	s0 =	sadd.s32 @!p0 $0x100000, s24;
	[bflag:$0x2] =	sbarrier.arrive $0xFFFF  }
0x1f7: {  	[sflag:s0] =	ssyncadd.tile.s32 @!p0 $0x1;
	_ =	shalt  }
.LBB2_6:
.Ltmp3:
0x1f8: {  	(pc) =	sbr.rel .LBB2_5-.Ltmp3, $4  }
0x1f9: {  	s24 =	rddreg [dreg:$0x5];
	s20 =	simm.s32 $0x4200  }
0x1fa: {  	s18 =	simm.s32 $0x10200;
	s21 =	simm.s32 $0x80;
	s17 =	simm.s32 $0xC0  }
0x1fb: {  	s25 =	simm.s32 $0x100;
	s0 =	simm.s32 $0xD;
	s7 =	simm.s32 $0x2200  }
0x1fc: {  	s8 =	simm.s32 $0xE200;
	s10 =	simm.s32 $0x200;
	s11 =	simm.s32 $0xC200  }
.Lfunc_end2:
_tile_overlayer_lowered:
.L_overlay_start_2:
0x1fd: {  	(tag) =	ssettag $0x2  }
0x1fe: {  	s0 =	rddreg [dreg:$0x0];
	s2 =	stileid.u32  }
0x1ff: {  	s1 =	rddreg [dreg:$0x1];
	p0 =	sne.s32 s2, $0x0  }
0x200: {  	s3 =	rddreg [dreg:$0x2];
	[bflag:$0x3] =	sbarrier.arrive $0xFFFF;
	s2 =	simm.s32 @!p0 $0x1C0D  }
0x201: {  	[timem:s3], [sflag:s2] =	dma.local @!p0 [hbm:s0], s1  }
0x202: {  	s0 =	simm.s32 @!p0 $0xD  }
0x203: {  	_ =	swait.ge @!p0 [sflag:s0], s1  }
0x204: {  	s1 =	ssub.s32 @!p0 $0x0, s1;
	[sflag:s0] =	ssyncset.done @!p0 $0x0  }
0x205: {  	[sflag:s0] =	ssyncadd.s32 @!p0 s1  }
0x206: {  	[bflag:$0x3] =	sbarrier.arrive $0xFFFF  }
0x207: {  	_ =	shalt  }

</sc_bundles>
